<compile_context>
chip_gen: v7x
topology: tpu7x:2x2x1
jax: 0.10.2.dev20260603
libtpu: 0.0.44.dev20260713+nightly
codegen_flags: <defaults>
</compile_context>

<pallas_src>
import functools

import jax
import jax.numpy as jnp
from jax import lax
from jax.experimental import pallas as pl
from jax.experimental.pallas import tpu as pltpu
from jax.experimental.pallas import tpu_sc as plsc

B = 16384
D = 32
NC = 2
NS = 16
L = 16
NW = NC * NS
BPW = B // NW
CHUNK = 128
NCH = BPW // CHUNK


@functools.lru_cache(maxsize=None)
def _make_sc_gather():
    mesh = plsc.VectorSubcoreMesh(core_axis_name="c", subcore_axis_name="s")

    @functools.partial(
        pl.kernel,
        mesh=mesh,
        compiler_params=pltpu.CompilerParams(use_tc_tiling_on_sc=False),
        out_type=[
            jax.ShapeDtypeStruct((B, D), jnp.float32),
            jax.ShapeDtypeStruct((B, D), jnp.float32),
            jax.ShapeDtypeStruct((B,), jnp.float32),
        ],
        scratch_types=[
            pltpu.VMEM((NCH, CHUNK), jnp.int32),
            pltpu.VMEM((NCH, CHUNK), jnp.int32),
            pltpu.VMEM((BPW, D), jnp.float32),
            pltpu.VMEM((BPW, D), jnp.float32),
            pltpu.VMEM((BPW,), jnp.float32),
            pltpu.VMEM((BPW,), jnp.float32),
            pltpu.VMEM((BPW,), jnp.float32),
            pltpu.SemaphoreType.DMA,
        ],
    )
    def sc_gather(uid_hbm, iid_hbm, uemb_hbm, iemb_hbm, ulin_hbm, ilin_hbm,
                  ue_out, ie_out, lin_out,
                  uidx_v, iidx_v, ue_v, ie_v, ul_v, il_v, lin_v, sem):
        wid = lax.axis_index("s") * NC + lax.axis_index("c")
        base = wid * BPW
        pltpu.sync_copy(uid_hbm.at[pl.ds(wid * NCH, NCH)], uidx_v)
        pltpu.sync_copy(iid_hbm.at[pl.ds(wid * NCH, NCH)], iidx_v)
        copies = []
        for j in range(NCH):
            dst = pl.ds(j * CHUNK, CHUNK)
            copies.append(pltpu.async_copy(
                uemb_hbm.at[uidx_v.at[j]], ue_v.at[dst], sem))
            copies.append(pltpu.async_copy(
                iemb_hbm.at[iidx_v.at[j]], ie_v.at[dst], sem))
            copies.append(pltpu.async_copy(
                ulin_hbm.at[uidx_v.at[j]], ul_v.at[dst], sem))
            copies.append(pltpu.async_copy(
                ilin_hbm.at[iidx_v.at[j]], il_v.at[dst], sem))
        for c in copies:
            c.wait()
        for j in range(BPW // L):
            sl = pl.ds(j * L, L)
            lin_v[sl] = ul_v[sl] + il_v[sl]
        pltpu.sync_copy(ue_v, ue_out.at[pl.ds(base, BPW)])
        pltpu.sync_copy(ie_v, ie_out.at[pl.ds(base, BPW)])
        pltpu.sync_copy(lin_v, lin_out.at[pl.ds(base, BPW)])

    return sc_gather


def _sc_gather(*args):
    return _make_sc_gather()(*args)


def _dense_body(ue_ref, ie_ref, lin_ref, w0ut_ref, w0it_ref, b0_ref,
                w1t_ref, b1_ref, woutt_ref, c_ref, out_ref):
    ue = ue_ref[...]
    ie = ie_ref[...]
    dn = (((1,), (1,)), ((), ()))
    h0 = lax.dot_general(w0ut_ref[...], ue, dn,
                         preferred_element_type=jnp.float32)
    h0 = h0 + lax.dot_general(w0it_ref[...], ie, dn,
                              preferred_element_type=jnp.float32)
    h0 = jnp.maximum(h0 + b0_ref[...], 0.0)
    dn2 = (((1,), (0,)), ((), ()))
    h1 = lax.dot_general(w1t_ref[...], h0, dn2,
                         preferred_element_type=jnp.float32)
    h1 = jnp.maximum(h1 + b1_ref[...], 0.0)
    dnn = lax.dot_general(woutt_ref[...], h1, dn2,
                          preferred_element_type=jnp.float32)
    fm = lax.dot_general(jnp.ones((1, D), jnp.float32), ue * ie, dn,
                         preferred_element_type=jnp.float32)
    logit = lin_ref[...][None, :] + fm + dnn + c_ref[0]
    out_ref[...] = (1.0 / (1.0 + jnp.exp(-logit)))[0]


def _dense(ue, ie, lin, w0ut, w0it, b0c, w1t, b1c, woutt, c):
    BB = 2048
    grid = (B // BB,)
    return pl.pallas_call(
        _dense_body,
        grid=grid,
        in_specs=[
            pl.BlockSpec((BB, D), lambda i: (i, 0)),
            pl.BlockSpec((BB, D), lambda i: (i, 0)),
            pl.BlockSpec((BB,), lambda i: (i,)),
            pl.BlockSpec((D, D), lambda i: (0, 0)),
            pl.BlockSpec((D, D), lambda i: (0, 0)),
            pl.BlockSpec((D, 1), lambda i: (0, 0)),
            pl.BlockSpec((D, D), lambda i: (0, 0)),
            pl.BlockSpec((D, 1), lambda i: (0, 0)),
            pl.BlockSpec((1, D), lambda i: (0, 0)),
            pl.BlockSpec(memory_space=pltpu.SMEM),
        ],
        out_specs=pl.BlockSpec((BB,), lambda i: (i,)),
        out_shape=jax.ShapeDtypeStruct((B,), jnp.float32),
    )(ue, ie, lin, w0ut, w0it, b0c, w1t, b1c, woutt, c)


def kernel(user_ids, item_ids, user_embedding, item_embedding, user_linear,
           item_linear, W0, b0, g0, beta0, W1, b1, g1, beta1, W_out, b_out,
           bias):
    eps = 1e-5
    s = 1.0 / jnp.sqrt(1.0 + eps)
    s0 = g0 * s
    s1 = g1 * s
    W0f = W0 * s0[None, :]
    b0f = b0 * s0 + beta0
    W1f = W1 * s1[None, :]
    b1f = b1 * s1 + beta1
    w0ut = jnp.transpose(W0f[:D])
    w0it = jnp.transpose(W0f[D:])
    w1t = jnp.transpose(W1f)
    woutt = jnp.transpose(W_out)
    c = (b_out + bias).reshape((1,))

    ue, ie, lin = _sc_gather(
        user_ids.astype(jnp.int32).reshape((NW * NCH, CHUNK)),
        item_ids.astype(jnp.int32).reshape((NW * NCH, CHUNK)),
        user_embedding, item_embedding,
        user_linear.reshape((user_linear.shape[0],)),
        item_linear.reshape((item_linear.shape[0],)))

    return _dense(ue, ie, lin, w0ut, w0it, b0f.reshape((D, 1)), w1t,
                  b1f.reshape((D, 1)), woutt, c)

# --- scband reference (transcript-rebuilt; emitter-appended) ---
"""Pipeline reference for scband-deep-fm-15444702396824 (READ-ONLY COPY).

The authoritative reference and input builder live on the scoring server;
editing this copy changes nothing except your own understanding.
"""

import jax, jax.numpy as jnp
import numpy as np

B = 16384
NU = 1000000
NI = 1000000
D = 32
HID = [32, 32]


def setup_inputs(seed: int = 0) -> dict:
    key = jax.random.key(seed)
    ks = jax.random.split(key, 16)
    inp = {}
    inp["user_ids"] = jax.random.randint(ks[0], (B,), 0, NU, dtype=jnp.int64 if jax.config.jax_enable_x64 else jnp.int32)
    inp["item_ids"] = jax.random.randint(ks[1], (B,), 0, NI, dtype=jnp.int64 if jax.config.jax_enable_x64 else jnp.int32)
    inp["user_embedding"] = jax.random.normal(ks[2], (NU, D), jnp.float32) * 0.01
    inp["item_embedding"] = jax.random.normal(ks[3], (NI, D), jnp.float32) * 0.01
    inp["user_linear"] = jax.random.normal(ks[4], (NU, 1), jnp.float32) * 0.01
    inp["item_linear"] = jax.random.normal(ks[5], (NI, 1), jnp.float32) * 0.01
    prev = 2 * D
    kidx = 6
    for li, h in enumerate(HID):
        inp[f"W{li}"] = jax.random.normal(ks[kidx], (prev, h), jnp.float32) * (1.0 / np.sqrt(prev)); kidx += 1
        inp[f"b{li}"] = jnp.zeros((h,), jnp.float32)
        inp[f"g{li}"] = jnp.ones((h,), jnp.float32)
        inp[f"beta{li}"] = jnp.zeros((h,), jnp.float32)
        prev = h
    inp["W_out"] = jax.random.normal(ks[kidx], (prev, 1), jnp.float32) * (1.0 / np.sqrt(prev))
    inp["b_out"] = jnp.zeros((1,), jnp.float32)
    inp["bias"] = jnp.zeros((1,), jnp.float32)
    return inp


def reference(user_ids, item_ids, user_embedding, item_embedding, user_linear, item_linear,
              W0, b0, g0, beta0, W1, b1, g1, beta1, W_out, b_out, bias):
    ue = user_embedding[user_ids]
    ie = item_embedding[item_ids]
    emb_concat = jnp.concatenate([ue, ie], axis=-1)
    lin = user_linear[user_ids] + item_linear[item_ids]
    emb_stack = jnp.stack([ue, ie])
    sum_emb = jnp.sum(emb_stack, axis=0)
    sum_emb_square = jnp.square(sum_emb)
    square_emb_sum = jnp.sum(jnp.stack([jnp.square(ue), jnp.square(ie)]), axis=0)
    second_order = 0.5 * (sum_emb_square - square_emb_sum)
    x = emb_concat
    eps = 1e-5
    for (W, b, g, be) in [(W0, b0, g0, beta0), (W1, b1, g1, beta1)]:
        x = x @ W + b
        # BatchNorm1d in eval mode with running_mean=0, running_var=1
        x = g * (x / jnp.sqrt(1.0 + eps)) + be
        x = jax.nn.relu(x)
        # Dropout is identity in eval mode
    dnn_out = x @ W_out + b_out
    logit = jnp.squeeze(lin) + jnp.sum(second_order, axis=1) + jnp.squeeze(dnn_out) + bias
    return jax.nn.sigmoid(logit)

if __name__ == "__main__":
    import jax
    _d = setup_inputs()
    print(jax.jit(kernel)(*tuple(_d.values())))

</pallas_src>

<mosaic_0001>
#map = affine_map<(d0, d1) -> (0, 0)>
#map1 = affine_map<(d0, d1) -> (0)>
module attributes {stable_mosaic.version = 14 : i64} {
  func.func @sc_gather(%arg0: i32, %arg1: i32, %arg2: memref<128x128xi32, #tpu.memory_space<hbm>>, %arg3: memref<128x128xi32, #tpu.memory_space<hbm>>, %arg4: memref<1000000x32xf32, #tpu.memory_space<hbm>>, %arg5: memref<1000000x32xf32, #tpu.memory_space<hbm>>, %arg6: memref<1000000xf32, #tpu.memory_space<hbm>>, %arg7: memref<1000000xf32, #tpu.memory_space<hbm>>, %arg8: memref<16384x32xf32, #tpu.memory_space<hbm>>, %arg9: memref<16384x32xf32, #tpu.memory_space<hbm>>, %arg10: memref<16384xf32, #tpu.memory_space<hbm>>, %arg11: memref<4x128xi32, #tpu.memory_space<vmem>>, %arg12: memref<4x128xi32, #tpu.memory_space<vmem>>, %arg13: memref<512x32xf32, #tpu.memory_space<vmem>>, %arg14: memref<512x32xf32, #tpu.memory_space<vmem>>, %arg15: memref<512xf32, #tpu.memory_space<vmem>>, %arg16: memref<512xf32, #tpu.memory_space<vmem>>, %arg17: memref<512xf32, #tpu.memory_space<vmem>>, %arg18: memref<!tpu.dma_semaphore, #tpu.memory_space<semaphore_mem>>) attributes {dimension_semantics = [#tpu.dimension_semantics<core_parallel>, #tpu.dimension_semantics<subcore_parallel>], iteration_bounds = array<i64: 2, 16>, scalar_prefetch = 0 : i64, scratch_operands = 8 : i64, tpu.core_type = #tpu.core_type<sc_vector_subcore>, window_params = [{transform_indices = #map}, {transform_indices = #map}, {transform_indices = #map}, {transform_indices = #map}, {transform_indices = #map1}, {transform_indices = #map1}, {transform_indices = #map}, {transform_indices = #map}, {transform_indices = #map1}]} {
    %mul3A = arith.constant 2 : i32
    %mul3A_0 = arith.muli %arg1, %mul3A : i32
    %add3A = arith.addi %mul3A_0, %arg0 : i32
    %mul3A_1 = arith.constant 512 : i32
    %mul3A_2 = arith.muli %add3A, %mul3A_1 : i32
    %mul3A_3 = arith.constant 4 : i32
    %mul3A_4 = arith.muli %add3A, %mul3A_3 : i32
    "tpu.region"() ({
      %run_scoped3A = tpu.sem_alloc : memref<!tpu.dma_semaphore, #tpu.memory_space<semaphore_mem>>
      %dma_start3A_643 = arith.constant 0 : i32
      %dma_start3A_644 = tpu.memref_slice %arg2[%mul3A_4, %dma_start3A_643] : memref<128x128xi32, #tpu.memory_space<hbm>> -> memref<4x128xi32, #tpu.memory_space<hbm>>
      %dma_start3A_645 = arith.constant 0 : i32
      %dma_start3A_646 = tpu.memref_slice %arg2[%mul3A_4, %dma_start3A_645] : memref<128x128xi32, #tpu.memory_space<hbm>> -> memref<4x128xi32, #tpu.memory_space<hbm>>
      tpu.enqueue_dma source(%dma_start3A_646 : memref<4x128xi32, #tpu.memory_space<hbm>>) target(%arg11 : memref<4x128xi32, #tpu.memory_space<vmem>>) target_semaphore(%run_scoped3A : memref<!tpu.dma_semaphore, #tpu.memory_space<semaphore_mem>>)
      %dma_wait3A_647 = arith.constant 0 : i32
      %dma_wait3A_648 = tpu.memref_slice %arg2[%mul3A_4, %dma_wait3A_647] : memref<128x128xi32, #tpu.memory_space<hbm>> -> memref<4x128xi32, #tpu.memory_space<hbm>>
      %dma_wait3A_649 = arith.constant 0 : i32
      %dma_wait3A_650 = tpu.memref_slice %arg2[%mul3A_4, %dma_wait3A_649] : memref<128x128xi32, #tpu.memory_space<hbm>> -> memref<4x128xi32, #tpu.memory_space<hbm>>
      tpu.wait_dma2 semaphore(%run_scoped3A : memref<!tpu.dma_semaphore, #tpu.memory_space<semaphore_mem>>) src(%dma_wait3A_650 : memref<4x128xi32, #tpu.memory_space<hbm>>) dst(%arg11 : memref<4x128xi32, #tpu.memory_space<vmem>>)
      tpu.yield
    }) : () -> ()
    %mul3A_5 = arith.constant 4 : i32
    %mul3A_6 = arith.muli %add3A, %mul3A_5 : i32
    "tpu.region"() ({
      %run_scoped3A = tpu.sem_alloc : memref<!tpu.dma_semaphore, #tpu.memory_space<semaphore_mem>>
      %dma_start3A_643 = arith.constant 0 : i32
      %dma_start3A_644 = tpu.memref_slice %arg3[%mul3A_6, %dma_start3A_643] : memref<128x128xi32, #tpu.memory_space<hbm>> -> memref<4x128xi32, #tpu.memory_space<hbm>>
      %dma_start3A_645 = arith.constant 0 : i32
      %dma_start3A_646 = tpu.memref_slice %arg3[%mul3A_6, %dma_start3A_645] : memref<128x128xi32, #tpu.memory_space<hbm>> -> memref<4x128xi32, #tpu.memory_space<hbm>>
      tpu.enqueue_dma source(%dma_start3A_646 : memref<4x128xi32, #tpu.memory_space<hbm>>) target(%arg12 : memref<4x128xi32, #tpu.memory_space<vmem>>) target_semaphore(%run_scoped3A : memref<!tpu.dma_semaphore, #tpu.memory_space<semaphore_mem>>)
      %dma_wait3A_647 = arith.constant 0 : i32
      %dma_wait3A_648 = tpu.memref_slice %arg3[%mul3A_6, %dma_wait3A_647] : memref<128x128xi32, #tpu.memory_space<hbm>> -> memref<4x128xi32, #tpu.memory_space<hbm>>
      %dma_wait3A_649 = arith.constant 0 : i32
      %dma_wait3A_650 = tpu.memref_slice %arg3[%mul3A_6, %dma_wait3A_649] : memref<128x128xi32, #tpu.memory_space<hbm>> -> memref<4x128xi32, #tpu.memory_space<hbm>>
      tpu.wait_dma2 semaphore(%run_scoped3A : memref<!tpu.dma_semaphore, #tpu.memory_space<semaphore_mem>>) src(%dma_wait3A_650 : memref<4x128xi32, #tpu.memory_space<hbm>>) dst(%arg12 : memref<4x128xi32, #tpu.memory_space<vmem>>)
      tpu.yield
    }) : () -> ()
    %dma_start3A = arith.constant 0 : i32
    %dma_start3A_7 = arith.constant 0 : i32
    %dma_start3A_8 = arith.constant 0 : i32
    %dma_start3A_9 = tpu.memref_slice %arg13[%dma_start3A_7, %dma_start3A_8] : memref<512x32xf32, #tpu.memory_space<vmem>> -> memref<128x32xf32, #tpu.memory_space<vmem>>
    %dma_start3A_10 = arith.constant 0 : i32
    %dma_start3A_11 = tpu.memref_slice %arg11[%dma_start3A, %dma_start3A_10] : memref<4x128xi32, #tpu.memory_space<vmem>> -> memref<1x128xi32, #tpu.memory_space<vmem>>
    %dma_start3A_12 = tpu.memref_squeeze %dma_start3A_11 : memref<1x128xi32, #tpu.memory_space<vmem>> -> memref<128xi32, #tpu.memory_space<vmem>>
    %dma_start3A_13 = arith.constant 0 : i32
    %dma_start3A_14 = arith.constant 0 : i32
    %dma_start3A_15 = tpu.memref_slice %arg4[%dma_start3A_13, %dma_start3A_14] : memref<1000000x32xf32, #tpu.memory_space<hbm>> -> memref<1000000x32xf32, #tpu.memory_space<hbm>>
    tpu.enqueue_indirect_dma source(%dma_start3A_15 : memref<1000000x32xf32, #tpu.memory_space<hbm>>) target(%dma_start3A_9 : memref<128x32xf32, #tpu.memory_space<vmem>>) offsets(%dma_start3A_12 : memref<128xi32, #tpu.memory_space<vmem>>) semaphore(%arg18 : memref<!tpu.dma_semaphore, #tpu.memory_space<semaphore_mem>>)
    %dma_start3A_16 = arith.constant 0 : i32
    %dma_start3A_17 = arith.constant 0 : i32
    %dma_start3A_18 = arith.constant 0 : i32
    %dma_start3A_19 = tpu.memref_slice %arg14[%dma_start3A_17, %dma_start3A_18] : memref<512x32xf32, #tpu.memory_space<vmem>> -> memref<128x32xf32, #tpu.memory_space<vmem>>
    %dma_start3A_20 = arith.constant 0 : i32
    %dma_start3A_21 = tpu.memref_slice %arg12[%dma_start3A_16, %dma_start3A_20] : memref<4x128xi32, #tpu.memory_space<vmem>> -> memref<1x128xi32, #tpu.memory_space<vmem>>
    %dma_start3A_22 = tpu.memref_squeeze %dma_start3A_21 : memref<1x128xi32, #tpu.memory_space<vmem>> -> memref<128xi32, #tpu.memory_space<vmem>>
    %dma_start3A_23 = arith.constant 0 : i32
    %dma_start3A_24 = arith.constant 0 : i32
    %dma_start3A_25 = tpu.memref_slice %arg5[%dma_start3A_23, %dma_start3A_24] : memref<1000000x32xf32, #tpu.memory_space<hbm>> -> memref<1000000x32xf32, #tpu.memory_space<hbm>>
    tpu.enqueue_indirect_dma source(%dma_start3A_25 : memref<1000000x32xf32, #tpu.memory_space<hbm>>) target(%dma_start3A_19 : memref<128x32xf32, #tpu.memory_space<vmem>>) offsets(%dma_start3A_22 : memref<128xi32, #tpu.memory_space<vmem>>) semaphore(%arg18 : memref<!tpu.dma_semaphore, #tpu.memory_space<semaphore_mem>>)
    %dma_start3A_26 = arith.constant 0 : i32
    %dma_start3A_27 = arith.constant 0 : i32
    %dma_start3A_28 = tpu.memref_slice %arg15[%dma_start3A_27] : memref<512xf32, #tpu.memory_space<vmem>> -> memref<128xf32, #tpu.memory_space<vmem>>
    %dma_start3A_29 = arith.constant 0 : i32
    %dma_start3A_30 = tpu.memref_slice %arg11[%dma_start3A_26, %dma_start3A_29] : memref<4x128xi32, #tpu.memory_space<vmem>> -> memref<1x128xi32, #tpu.memory_space<vmem>>
    %dma_start3A_31 = tpu.memref_squeeze %dma_start3A_30 : memref<1x128xi32, #tpu.memory_space<vmem>> -> memref<128xi32, #tpu.memory_space<vmem>>
    %dma_start3A_32 = arith.constant 0 : i32
    %dma_start3A_33 = tpu.memref_slice %arg6[%dma_start3A_32] : memref<1000000xf32, #tpu.memory_space<hbm>> -> memref<1000000xf32, #tpu.memory_space<hbm>>
    tpu.enqueue_indirect_dma source(%dma_start3A_33 : memref<1000000xf32, #tpu.memory_space<hbm>>) target(%dma_start3A_28 : memref<128xf32, #tpu.memory_space<vmem>>) offsets(%dma_start3A_31 : memref<128xi32, #tpu.memory_space<vmem>>) semaphore(%arg18 : memref<!tpu.dma_semaphore, #tpu.memory_space<semaphore_mem>>)
    %dma_start3A_34 = arith.constant 0 : i32
    %dma_start3A_35 = arith.constant 0 : i32
    %dma_start3A_36 = tpu.memref_slice %arg16[%dma_start3A_35] : memref<512xf32, #tpu.memory_space<vmem>> -> memref<128xf32, #tpu.memory_space<vmem>>
    %dma_start3A_37 = arith.constant 0 : i32
    %dma_start3A_38 = tpu.memref_slice %arg12[%dma_start3A_34, %dma_start3A_37] : memref<4x128xi32, #tpu.memory_space<vmem>> -> memref<1x128xi32, #tpu.memory_space<vmem>>
    %dma_start3A_39 = tpu.memref_squeeze %dma_start3A_38 : memref<1x128xi32, #tpu.memory_space<vmem>> -> memref<128xi32, #tpu.memory_space<vmem>>
    %dma_start3A_40 = arith.constant 0 : i32
    %dma_start3A_41 = tpu.memref_slice %arg7[%dma_start3A_40] : memref<1000000xf32, #tpu.memory_space<hbm>> -> memref<1000000xf32, #tpu.memory_space<hbm>>
    tpu.enqueue_indirect_dma source(%dma_start3A_41 : memref<1000000xf32, #tpu.memory_space<hbm>>) target(%dma_start3A_36 : memref<128xf32, #tpu.memory_space<vmem>>) offsets(%dma_start3A_39 : memref<128xi32, #tpu.memory_space<vmem>>) semaphore(%arg18 : memref<!tpu.dma_semaphore, #tpu.memory_space<semaphore_mem>>)
    %dma_start3A_42 = arith.constant 1 : i32
    %dma_start3A_43 = arith.constant 128 : i32
    %dma_start3A_44 = arith.constant 0 : i32
    %dma_start3A_45 = tpu.memref_slice %arg13[%dma_start3A_43, %dma_start3A_44] : memref<512x32xf32, #tpu.memory_space<vmem>> -> memref<128x32xf32, #tpu.memory_space<vmem>>
    %dma_start3A_46 = arith.constant 0 : i32
    %dma_start3A_47 = tpu.memref_slice %arg11[%dma_start3A_42, %dma_start3A_46] : memref<4x128xi32, #tpu.memory_space<vmem>> -> memref<1x128xi32, #tpu.memory_space<vmem>>
    %dma_start3A_48 = tpu.memref_squeeze %dma_start3A_47 : memref<1x128xi32, #tpu.memory_space<vmem>> -> memref<128xi32, #tpu.memory_space<vmem>>
    %dma_start3A_49 = arith.constant 0 : i32
    %dma_start3A_50 = arith.constant 0 : i32
    %dma_start3A_51 = tpu.memref_slice %arg4[%dma_start3A_49, %dma_start3A_50] : memref<1000000x32xf32, #tpu.memory_space<hbm>> -> memref<1000000x32xf32, #tpu.memory_space<hbm>>
    tpu.enqueue_indirect_dma source(%dma_start3A_51 : memref<1000000x32xf32, #tpu.memory_space<hbm>>) target(%dma_start3A_45 : memref<128x32xf32, #tpu.memory_space<vmem>>) offsets(%dma_start3A_48 : memref<128xi32, #tpu.memory_space<vmem>>) semaphore(%arg18 : memref<!tpu.dma_semaphore, #tpu.memory_space<semaphore_mem>>)
    %dma_start3A_52 = arith.constant 1 : i32
    %dma_start3A_53 = arith.constant 128 : i32
    %dma_start3A_54 = arith.constant 0 : i32
    %dma_start3A_55 = tpu.memref_slice %arg14[%dma_start3A_53, %dma_start3A_54] : memref<512x32xf32, #tpu.memory_space<vmem>> -> memref<128x32xf32, #tpu.memory_space<vmem>>
    %dma_start3A_56 = arith.constant 0 : i32
    %dma_start3A_57 = tpu.memref_slice %arg12[%dma_start3A_52, %dma_start3A_56] : memref<4x128xi32, #tpu.memory_space<vmem>> -> memref<1x128xi32, #tpu.memory_space<vmem>>
    %dma_start3A_58 = tpu.memref_squeeze %dma_start3A_57 : memref<1x128xi32, #tpu.memory_space<vmem>> -> memref<128xi32, #tpu.memory_space<vmem>>
    %dma_start3A_59 = arith.constant 0 : i32
    %dma_start3A_60 = arith.constant 0 : i32
    %dma_start3A_61 = tpu.memref_slice %arg5[%dma_start3A_59, %dma_start3A_60] : memref<1000000x32xf32, #tpu.memory_space<hbm>> -> memref<1000000x32xf32, #tpu.memory_space<hbm>>
    tpu.enqueue_indirect_dma source(%dma_start3A_61 : memref<1000000x32xf32, #tpu.memory_space<hbm>>) target(%dma_start3A_55 : memref<128x32xf32, #tpu.memory_space<vmem>>) offsets(%dma_start3A_58 : memref<128xi32, #tpu.memory_space<vmem>>) semaphore(%arg18 : memref<!tpu.dma_semaphore, #tpu.memory_space<semaphore_mem>>)
    %dma_start3A_62 = arith.constant 1 : i32
    %dma_start3A_63 = arith.constant 128 : i32
    %dma_start3A_64 = tpu.memref_slice %arg15[%dma_start3A_63] : memref<512xf32, #tpu.memory_space<vmem>> -> memref<128xf32, #tpu.memory_space<vmem>>
    %dma_start3A_65 = arith.constant 0 : i32
    %dma_start3A_66 = tpu.memref_slice %arg11[%dma_start3A_62, %dma_start3A_65] : memref<4x128xi32, #tpu.memory_space<vmem>> -> memref<1x128xi32, #tpu.memory_space<vmem>>
    %dma_start3A_67 = tpu.memref_squeeze %dma_start3A_66 : memref<1x128xi32, #tpu.memory_space<vmem>> -> memref<128xi32, #tpu.memory_space<vmem>>
    %dma_start3A_68 = arith.constant 0 : i32
    %dma_start3A_69 = tpu.memref_slice %arg6[%dma_start3A_68] : memref<1000000xf32, #tpu.memory_space<hbm>> -> memref<1000000xf32, #tpu.memory_space<hbm>>
    tpu.enqueue_indirect_dma source(%dma_start3A_69 : memref<1000000xf32, #tpu.memory_space<hbm>>) target(%dma_start3A_64 : memref<128xf32, #tpu.memory_space<vmem>>) offsets(%dma_start3A_67 : memref<128xi32, #tpu.memory_space<vmem>>) semaphore(%arg18 : memref<!tpu.dma_semaphore, #tpu.memory_space<semaphore_mem>>)
    %dma_start3A_70 = arith.constant 1 : i32
    %dma_start3A_71 = arith.constant 128 : i32
    %dma_start3A_72 = tpu.memref_slice %arg16[%dma_start3A_71] : memref<512xf32, #tpu.memory_space<vmem>> -> memref<128xf32, #tpu.memory_space<vmem>>
    %dma_start3A_73 = arith.constant 0 : i32
    %dma_start3A_74 = tpu.memref_slice %arg12[%dma_start3A_70, %dma_start3A_73] : memref<4x128xi32, #tpu.memory_space<vmem>> -> memref<1x128xi32, #tpu.memory_space<vmem>>
    %dma_start3A_75 = tpu.memref_squeeze %dma_start3A_74 : memref<1x128xi32, #tpu.memory_space<vmem>> -> memref<128xi32, #tpu.memory_space<vmem>>
    %dma_start3A_76 = arith.constant 0 : i32
    %dma_start3A_77 = tpu.memref_slice %arg7[%dma_start3A_76] : memref<1000000xf32, #tpu.memory_space<hbm>> -> memref<1000000xf32, #tpu.memory_space<hbm>>
    tpu.enqueue_indirect_dma source(%dma_start3A_77 : memref<1000000xf32, #tpu.memory_space<hbm>>) target(%dma_start3A_72 : memref<128xf32, #tpu.memory_space<vmem>>) offsets(%dma_start3A_75 : memref<128xi32, #tpu.memory_space<vmem>>) semaphore(%arg18 : memref<!tpu.dma_semaphore, #tpu.memory_space<semaphore_mem>>)
    %dma_start3A_78 = arith.constant 2 : i32
    %dma_start3A_79 = arith.constant 256 : i32
    %dma_start3A_80 = arith.constant 0 : i32
    %dma_start3A_81 = tpu.memref_slice %arg13[%dma_start3A_79, %dma_start3A_80] : memref<512x32xf32, #tpu.memory_space<vmem>> -> memref<128x32xf32, #tpu.memory_space<vmem>>
    %dma_start3A_82 = arith.constant 0 : i32
    %dma_start3A_83 = tpu.memref_slice %arg11[%dma_start3A_78, %dma_start3A_82] : memref<4x128xi32, #tpu.memory_space<vmem>> -> memref<1x128xi32, #tpu.memory_space<vmem>>
    %dma_start3A_84 = tpu.memref_squeeze %dma_start3A_83 : memref<1x128xi32, #tpu.memory_space<vmem>> -> memref<128xi32, #tpu.memory_space<vmem>>
    %dma_start3A_85 = arith.constant 0 : i32
    %dma_start3A_86 = arith.constant 0 : i32
    %dma_start3A_87 = tpu.memref_slice %arg4[%dma_start3A_85, %dma_start3A_86] : memref<1000000x32xf32, #tpu.memory_space<hbm>> -> memref<1000000x32xf32, #tpu.memory_space<hbm>>
    tpu.enqueue_indirect_dma source(%dma_start3A_87 : memref<1000000x32xf32, #tpu.memory_space<hbm>>) target(%dma_start3A_81 : memref<128x32xf32, #tpu.memory_space<vmem>>) offsets(%dma_start3A_84 : memref<128xi32, #tpu.memory_space<vmem>>) semaphore(%arg18 : memref<!tpu.dma_semaphore, #tpu.memory_space<semaphore_mem>>)
    %dma_start3A_88 = arith.constant 2 : i32
    %dma_start3A_89 = arith.constant 256 : i32
    %dma_start3A_90 = arith.constant 0 : i32
    %dma_start3A_91 = tpu.memref_slice %arg14[%dma_start3A_89, %dma_start3A_90] : memref<512x32xf32, #tpu.memory_space<vmem>> -> memref<128x32xf32, #tpu.memory_space<vmem>>
    %dma_start3A_92 = arith.constant 0 : i32
    %dma_start3A_93 = tpu.memref_slice %arg12[%dma_start3A_88, %dma_start3A_92] : memref<4x128xi32, #tpu.memory_space<vmem>> -> memref<1x128xi32, #tpu.memory_space<vmem>>
    %dma_start3A_94 = tpu.memref_squeeze %dma_start3A_93 : memref<1x128xi32, #tpu.memory_space<vmem>> -> memref<128xi32, #tpu.memory_space<vmem>>
    %dma_start3A_95 = arith.constant 0 : i32
    %dma_start3A_96 = arith.constant 0 : i32
    %dma_start3A_97 = tpu.memref_slice %arg5[%dma_start3A_95, %dma_start3A_96] : memref<1000000x32xf32, #tpu.memory_space<hbm>> -> memref<1000000x32xf32, #tpu.memory_space<hbm>>
    tpu.enqueue_indirect_dma source(%dma_start3A_97 : memref<1000000x32xf32, #tpu.memory_space<hbm>>) target(%dma_start3A_91 : memref<128x32xf32, #tpu.memory_space<vmem>>) offsets(%dma_start3A_94 : memref<128xi32, #tpu.memory_space<vmem>>) semaphore(%arg18 : memref<!tpu.dma_semaphore, #tpu.memory_space<semaphore_mem>>)
    %dma_start3A_98 = arith.constant 2 : i32
    %dma_start3A_99 = arith.constant 256 : i32
    %dma_start3A_100 = tpu.memref_slice %arg15[%dma_start3A_99] : memref<512xf32, #tpu.memory_space<vmem>> -> memref<128xf32, #tpu.memory_space<vmem>>
    %dma_start3A_101 = arith.constant 0 : i32
    %dma_start3A_102 = tpu.memref_slice %arg11[%dma_start3A_98, %dma_start3A_101] : memref<4x128xi32, #tpu.memory_space<vmem>> -> memref<1x128xi32, #tpu.memory_space<vmem>>
    %dma_start3A_103 = tpu.memref_squeeze %dma_start3A_102 : memref<1x128xi32, #tpu.memory_space<vmem>> -> memref<128xi32, #tpu.memory_space<vmem>>
    %dma_start3A_104 = arith.constant 0 : i32
    %dma_start3A_105 = tpu.memref_slice %arg6[%dma_start3A_104] : memref<1000000xf32, #tpu.memory_space<hbm>> -> memref<1000000xf32, #tpu.memory_space<hbm>>
    tpu.enqueue_indirect_dma source(%dma_start3A_105 : memref<1000000xf32, #tpu.memory_space<hbm>>) target(%dma_start3A_100 : memref<128xf32, #tpu.memory_space<vmem>>) offsets(%dma_start3A_103 : memref<128xi32, #tpu.memory_space<vmem>>) semaphore(%arg18 : memref<!tpu.dma_semaphore, #tpu.memory_space<semaphore_mem>>)
    %dma_start3A_106 = arith.constant 2 : i32
    %dma_start3A_107 = arith.constant 256 : i32
    %dma_start3A_108 = tpu.memref_slice %arg16[%dma_start3A_107] : memref<512xf32, #tpu.memory_space<vmem>> -> memref<128xf32, #tpu.memory_space<vmem>>
    %dma_start3A_109 = arith.constant 0 : i32
    %dma_start3A_110 = tpu.memref_slice %arg12[%dma_start3A_106, %dma_start3A_109] : memref<4x128xi32, #tpu.memory_space<vmem>> -> memref<1x128xi32, #tpu.memory_space<vmem>>
    %dma_start3A_111 = tpu.memref_squeeze %dma_start3A_110 : memref<1x128xi32, #tpu.memory_space<vmem>> -> memref<128xi32, #tpu.memory_space<vmem>>
    %dma_start3A_112 = arith.constant 0 : i32
    %dma_start3A_113 = tpu.memref_slice %arg7[%dma_start3A_112] : memref<1000000xf32, #tpu.memory_space<hbm>> -> memref<1000000xf32, #tpu.memory_space<hbm>>
    tpu.enqueue_indirect_dma source(%dma_start3A_113 : memref<1000000xf32, #tpu.memory_space<hbm>>) target(%dma_start3A_108 : memref<128xf32, #tpu.memory_space<vmem>>) offsets(%dma_start3A_111 : memref<128xi32, #tpu.memory_space<vmem>>) semaphore(%arg18 : memref<!tpu.dma_semaphore, #tpu.memory_space<semaphore_mem>>)
    %dma_start3A_114 = arith.constant 3 : i32
    %dma_start3A_115 = arith.constant 384 : i32
    %dma_start3A_116 = arith.constant 0 : i32
    %dma_start3A_117 = tpu.memref_slice %arg13[%dma_start3A_115, %dma_start3A_116] : memref<512x32xf32, #tpu.memory_space<vmem>> -> memref<128x32xf32, #tpu.memory_space<vmem>>
    %dma_start3A_118 = arith.constant 0 : i32
    %dma_start3A_119 = tpu.memref_slice %arg11[%dma_start3A_114, %dma_start3A_118] : memref<4x128xi32, #tpu.memory_space<vmem>> -> memref<1x128xi32, #tpu.memory_space<vmem>>
    %dma_start3A_120 = tpu.memref_squeeze %dma_start3A_119 : memref<1x128xi32, #tpu.memory_space<vmem>> -> memref<128xi32, #tpu.memory_space<vmem>>
    %dma_start3A_121 = arith.constant 0 : i32
    %dma_start3A_122 = arith.constant 0 : i32
    %dma_start3A_123 = tpu.memref_slice %arg4[%dma_start3A_121, %dma_start3A_122] : memref<1000000x32xf32, #tpu.memory_space<hbm>> -> memref<1000000x32xf32, #tpu.memory_space<hbm>>
    tpu.enqueue_indirect_dma source(%dma_start3A_123 : memref<1000000x32xf32, #tpu.memory_space<hbm>>) target(%dma_start3A_117 : memref<128x32xf32, #tpu.memory_space<vmem>>) offsets(%dma_start3A_120 : memref<128xi32, #tpu.memory_space<vmem>>) semaphore(%arg18 : memref<!tpu.dma_semaphore, #tpu.memory_space<semaphore_mem>>)
    %dma_start3A_124 = arith.constant 3 : i32
    %dma_start3A_125 = arith.constant 384 : i32
    %dma_start3A_126 = arith.constant 0 : i32
    %dma_start3A_127 = tpu.memref_slice %arg14[%dma_start3A_125, %dma_start3A_126] : memref<512x32xf32, #tpu.memory_space<vmem>> -> memref<128x32xf32, #tpu.memory_space<vmem>>
    %dma_start3A_128 = arith.constant 0 : i32
    %dma_start3A_129 = tpu.memref_slice %arg12[%dma_start3A_124, %dma_start3A_128] : memref<4x128xi32, #tpu.memory_space<vmem>> -> memref<1x128xi32, #tpu.memory_space<vmem>>
    %dma_start3A_130 = tpu.memref_squeeze %dma_start3A_129 : memref<1x128xi32, #tpu.memory_space<vmem>> -> memref<128xi32, #tpu.memory_space<vmem>>
    %dma_start3A_131 = arith.constant 0 : i32
    %dma_start3A_132 = arith.constant 0 : i32
    %dma_start3A_133 = tpu.memref_slice %arg5[%dma_start3A_131, %dma_start3A_132] : memref<1000000x32xf32, #tpu.memory_space<hbm>> -> memref<1000000x32xf32, #tpu.memory_space<hbm>>
    tpu.enqueue_indirect_dma source(%dma_start3A_133 : memref<1000000x32xf32, #tpu.memory_space<hbm>>) target(%dma_start3A_127 : memref<128x32xf32, #tpu.memory_space<vmem>>) offsets(%dma_start3A_130 : memref<128xi32, #tpu.memory_space<vmem>>) semaphore(%arg18 : memref<!tpu.dma_semaphore, #tpu.memory_space<semaphore_mem>>)
    %dma_start3A_134 = arith.constant 3 : i32
    %dma_start3A_135 = arith.constant 384 : i32
    %dma_start3A_136 = tpu.memref_slice %arg15[%dma_start3A_135] : memref<512xf32, #tpu.memory_space<vmem>> -> memref<128xf32, #tpu.memory_space<vmem>>
    %dma_start3A_137 = arith.constant 0 : i32
    %dma_start3A_138 = tpu.memref_slice %arg11[%dma_start3A_134, %dma_start3A_137] : memref<4x128xi32, #tpu.memory_space<vmem>> -> memref<1x128xi32, #tpu.memory_space<vmem>>
    %dma_start3A_139 = tpu.memref_squeeze %dma_start3A_138 : memref<1x128xi32, #tpu.memory_space<vmem>> -> memref<128xi32, #tpu.memory_space<vmem>>
    %dma_start3A_140 = arith.constant 0 : i32
    %dma_start3A_141 = tpu.memref_slice %arg6[%dma_start3A_140] : memref<1000000xf32, #tpu.memory_space<hbm>> -> memref<1000000xf32, #tpu.memory_space<hbm>>
    tpu.enqueue_indirect_dma source(%dma_start3A_141 : memref<1000000xf32, #tpu.memory_space<hbm>>) target(%dma_start3A_136 : memref<128xf32, #tpu.memory_space<vmem>>) offsets(%dma_start3A_139 : memref<128xi32, #tpu.memory_space<vmem>>) semaphore(%arg18 : memref<!tpu.dma_semaphore, #tpu.memory_space<semaphore_mem>>)
    %dma_start3A_142 = arith.constant 3 : i32
    %dma_start3A_143 = arith.constant 384 : i32
    %dma_start3A_144 = tpu.memref_slice %arg16[%dma_start3A_143] : memref<512xf32, #tpu.memory_space<vmem>> -> memref<128xf32, #tpu.memory_space<vmem>>
    %dma_start3A_145 = arith.constant 0 : i32
    %dma_start3A_146 = tpu.memref_slice %arg12[%dma_start3A_142, %dma_start3A_145] : memref<4x128xi32, #tpu.memory_space<vmem>> -> memref<1x128xi32, #tpu.memory_space<vmem>>
    %dma_start3A_147 = tpu.memref_squeeze %dma_start3A_146 : memref<1x128xi32, #tpu.memory_space<vmem>> -> memref<128xi32, #tpu.memory_space<vmem>>
    %dma_start3A_148 = arith.constant 0 : i32
    %dma_start3A_149 = tpu.memref_slice %arg7[%dma_start3A_148] : memref<1000000xf32, #tpu.memory_space<hbm>> -> memref<1000000xf32, #tpu.memory_space<hbm>>
    tpu.enqueue_indirect_dma source(%dma_start3A_149 : memref<1000000xf32, #tpu.memory_space<hbm>>) target(%dma_start3A_144 : memref<128xf32, #tpu.memory_space<vmem>>) offsets(%dma_start3A_147 : memref<128xi32, #tpu.memory_space<vmem>>) semaphore(%arg18 : memref<!tpu.dma_semaphore, #tpu.memory_space<semaphore_mem>>)
    %dma_wait3A = arith.constant 0 : i32
    %dma_wait3A_150 = arith.constant 0 : i32
    %dma_wait3A_151 = arith.constant 0 : i32
    %dma_wait3A_152 = tpu.memref_slice %arg13[%dma_wait3A_150, %dma_wait3A_151] : memref<512x32xf32, #tpu.memory_space<vmem>> -> memref<128x32xf32, #tpu.memory_space<vmem>>
    %dma_wait3A_153 = arith.constant 0 : i32
    %dma_wait3A_154 = tpu.memref_slice %arg11[%dma_wait3A, %dma_wait3A_153] : memref<4x128xi32, #tpu.memory_space<vmem>> -> memref<1x128xi32, #tpu.memory_space<vmem>>
    %dma_wait3A_155 = tpu.memref_squeeze %dma_wait3A_154 : memref<1x128xi32, #tpu.memory_space<vmem>> -> memref<128xi32, #tpu.memory_space<vmem>>
    %dma_wait3A_156 = arith.constant 0 : i32
    %dma_wait3A_157 = arith.constant 0 : i32
    %dma_wait3A_158 = tpu.memref_slice %arg4[%dma_wait3A_156, %dma_wait3A_157] : memref<1000000x32xf32, #tpu.memory_space<hbm>> -> memref<1000000x32xf32, #tpu.memory_space<hbm>>
    tpu.wait_indirect_dma semaphore(%arg18 : memref<!tpu.dma_semaphore, #tpu.memory_space<semaphore_mem>>) src(%dma_wait3A_158 : memref<1000000x32xf32, #tpu.memory_space<hbm>>) dst(%dma_wait3A_152 : memref<128x32xf32, #tpu.memory_space<vmem>>)
    %dma_wait3A_159 = arith.constant 0 : i32
    %dma_wait3A_160 = arith.constant 0 : i32
    %dma_wait3A_161 = arith.constant 0 : i32
    %dma_wait3A_162 = tpu.memref_slice %arg14[%dma_wait3A_160, %dma_wait3A_161] : memref<512x32xf32, #tpu.memory_space<vmem>> -> memref<128x32xf32, #tpu.memory_space<vmem>>
    %dma_wait3A_163 = arith.constant 0 : i32
    %dma_wait3A_164 = tpu.memref_slice %arg12[%dma_wait3A_159, %dma_wait3A_163] : memref<4x128xi32, #tpu.memory_space<vmem>> -> memref<1x128xi32, #tpu.memory_space<vmem>>
    %dma_wait3A_165 = tpu.memref_squeeze %dma_wait3A_164 : memref<1x128xi32, #tpu.memory_space<vmem>> -> memref<128xi32, #tpu.memory_space<vmem>>
    %dma_wait3A_166 = arith.constant 0 : i32
    %dma_wait3A_167 = arith.constant 0 : i32
    %dma_wait3A_168 = tpu.memref_slice %arg5[%dma_wait3A_166, %dma_wait3A_167] : memref<1000000x32xf32, #tpu.memory_space<hbm>> -> memref<1000000x32xf32, #tpu.memory_space<hbm>>
    tpu.wait_indirect_dma semaphore(%arg18 : memref<!tpu.dma_semaphore, #tpu.memory_space<semaphore_mem>>) src(%dma_wait3A_168 : memref<1000000x32xf32, #tpu.memory_space<hbm>>) dst(%dma_wait3A_162 : memref<128x32xf32, #tpu.memory_space<vmem>>)
    %dma_wait3A_169 = arith.constant 0 : i32
    %dma_wait3A_170 = arith.constant 0 : i32
    %dma_wait3A_171 = tpu.memref_slice %arg15[%dma_wait3A_170] : memref<512xf32, #tpu.memory_space<vmem>> -> memref<128xf32, #tpu.memory_space<vmem>>
    %dma_wait3A_172 = arith.constant 0 : i32
    %dma_wait3A_173 = tpu.memref_slice %arg11[%dma_wait3A_169, %dma_wait3A_172] : memref<4x128xi32, #tpu.memory_space<vmem>> -> memref<1x128xi32, #tpu.memory_space<vmem>>
    %dma_wait3A_174 = tpu.memref_squeeze %dma_wait3A_173 : memref<1x128xi32, #tpu.memory_space<vmem>> -> memref<128xi32, #tpu.memory_space<vmem>>
    %dma_wait3A_175 = arith.constant 0 : i32
    %dma_wait3A_176 = tpu.memref_slice %arg6[%dma_wait3A_175] : memref<1000000xf32, #tpu.memory_space<hbm>> -> memref<1000000xf32, #tpu.memory_space<hbm>>
    tpu.wait_indirect_dma semaphore(%arg18 : memref<!tpu.dma_semaphore, #tpu.memory_space<semaphore_mem>>) src(%dma_wait3A_176 : memref<1000000xf32, #tpu.memory_space<hbm>>) dst(%dma_wait3A_171 : memref<128xf32, #tpu.memory_space<vmem>>)
    %dma_wait3A_177 = arith.constant 0 : i32
    %dma_wait3A_178 = arith.constant 0 : i32
    %dma_wait3A_179 = tpu.memref_slice %arg16[%dma_wait3A_178] : memref<512xf32, #tpu.memory_space<vmem>> -> memref<128xf32, #tpu.memory_space<vmem>>
    %dma_wait3A_180 = arith.constant 0 : i32
    %dma_wait3A_181 = tpu.memref_slice %arg12[%dma_wait3A_177, %dma_wait3A_180] : memref<4x128xi32, #tpu.memory_space<vmem>> -> memref<1x128xi32, #tpu.memory_space<vmem>>
    %dma_wait3A_182 = tpu.memref_squeeze %dma_wait3A_181 : memref<1x128xi32, #tpu.memory_space<vmem>> -> memref<128xi32, #tpu.memory_space<vmem>>
    %dma_wait3A_183 = arith.constant 0 : i32
    %dma_wait3A_184 = tpu.memref_slice %arg7[%dma_wait3A_183] : memref<1000000xf32, #tpu.memory_space<hbm>> -> memref<1000000xf32, #tpu.memory_space<hbm>>
    tpu.wait_indirect_dma semaphore(%arg18 : memref<!tpu.dma_semaphore, #tpu.memory_space<semaphore_mem>>) src(%dma_wait3A_184 : memref<1000000xf32, #tpu.memory_space<hbm>>) dst(%dma_wait3A_179 : memref<128xf32, #tpu.memory_space<vmem>>)
    %dma_wait3A_185 = arith.constant 1 : i32
    %dma_wait3A_186 = arith.constant 128 : i32
    %dma_wait3A_187 = arith.constant 0 : i32
    %dma_wait3A_188 = tpu.memref_slice %arg13[%dma_wait3A_186, %dma_wait3A_187] : memref<512x32xf32, #tpu.memory_space<vmem>> -> memref<128x32xf32, #tpu.memory_space<vmem>>
    %dma_wait3A_189 = arith.constant 0 : i32
    %dma_wait3A_190 = tpu.memref_slice %arg11[%dma_wait3A_185, %dma_wait3A_189] : memref<4x128xi32, #tpu.memory_space<vmem>> -> memref<1x128xi32, #tpu.memory_space<vmem>>
    %dma_wait3A_191 = tpu.memref_squeeze %dma_wait3A_190 : memref<1x128xi32, #tpu.memory_space<vmem>> -> memref<128xi32, #tpu.memory_space<vmem>>
    %dma_wait3A_192 = arith.constant 0 : i32
    %dma_wait3A_193 = arith.constant 0 : i32
    %dma_wait3A_194 = tpu.memref_slice %arg4[%dma_wait3A_192, %dma_wait3A_193] : memref<1000000x32xf32, #tpu.memory_space<hbm>> -> memref<1000000x32xf32, #tpu.memory_space<hbm>>
    tpu.wait_indirect_dma semaphore(%arg18 : memref<!tpu.dma_semaphore, #tpu.memory_space<semaphore_mem>>) src(%dma_wait3A_194 : memref<1000000x32xf32, #tpu.memory_space<hbm>>) dst(%dma_wait3A_188 : memref<128x32xf32, #tpu.memory_space<vmem>>)
    %dma_wait3A_195 = arith.constant 1 : i32
    %dma_wait3A_196 = arith.constant 128 : i32
    %dma_wait3A_197 = arith.constant 0 : i32
    %dma_wait3A_198 = tpu.memref_slice %arg14[%dma_wait3A_196, %dma_wait3A_197] : memref<512x32xf32, #tpu.memory_space<vmem>> -> memref<128x32xf32, #tpu.memory_space<vmem>>
    %dma_wait3A_199 = arith.constant 0 : i32
    %dma_wait3A_200 = tpu.memref_slice %arg12[%dma_wait3A_195, %dma_wait3A_199] : memref<4x128xi32, #tpu.memory_space<vmem>> -> memref<1x128xi32, #tpu.memory_space<vmem>>
    %dma_wait3A_201 = tpu.memref_squeeze %dma_wait3A_200 : memref<1x128xi32, #tpu.memory_space<vmem>> -> memref<128xi32, #tpu.memory_space<vmem>>
    %dma_wait3A_202 = arith.constant 0 : i32
    %dma_wait3A_203 = arith.constant 0 : i32
    %dma_wait3A_204 = tpu.memref_slice %arg5[%dma_wait3A_202, %dma_wait3A_203] : memref<1000000x32xf32, #tpu.memory_space<hbm>> -> memref<1000000x32xf32, #tpu.memory_space<hbm>>
    tpu.wait_indirect_dma semaphore(%arg18 : memref<!tpu.dma_semaphore, #tpu.memory_space<semaphore_mem>>) src(%dma_wait3A_204 : memref<1000000x32xf32, #tpu.memory_space<hbm>>) dst(%dma_wait3A_198 : memref<128x32xf32, #tpu.memory_space<vmem>>)
    %dma_wait3A_205 = arith.constant 1 : i32
    %dma_wait3A_206 = arith.constant 128 : i32
    %dma_wait3A_207 = tpu.memref_slice %arg15[%dma_wait3A_206] : memref<512xf32, #tpu.memory_space<vmem>> -> memref<128xf32, #tpu.memory_space<vmem>>
    %dma_wait3A_208 = arith.constant 0 : i32
    %dma_wait3A_209 = tpu.memref_slice %arg11[%dma_wait3A_205, %dma_wait3A_208] : memref<4x128xi32, #tpu.memory_space<vmem>> -> memref<1x128xi32, #tpu.memory_space<vmem>>
    %dma_wait3A_210 = tpu.memref_squeeze %dma_wait3A_209 : memref<1x128xi32, #tpu.memory_space<vmem>> -> memref<128xi32, #tpu.memory_space<vmem>>
    %dma_wait3A_211 = arith.constant 0 : i32
    %dma_wait3A_212 = tpu.memref_slice %arg6[%dma_wait3A_211] : memref<1000000xf32, #tpu.memory_space<hbm>> -> memref<1000000xf32, #tpu.memory_space<hbm>>
    tpu.wait_indirect_dma semaphore(%arg18 : memref<!tpu.dma_semaphore, #tpu.memory_space<semaphore_mem>>) src(%dma_wait3A_212 : memref<1000000xf32, #tpu.memory_space<hbm>>) dst(%dma_wait3A_207 : memref<128xf32, #tpu.memory_space<vmem>>)
    %dma_wait3A_213 = arith.constant 1 : i32
    %dma_wait3A_214 = arith.constant 128 : i32
    %dma_wait3A_215 = tpu.memref_slice %arg16[%dma_wait3A_214] : memref<512xf32, #tpu.memory_space<vmem>> -> memref<128xf32, #tpu.memory_space<vmem>>
    %dma_wait3A_216 = arith.constant 0 : i32
    %dma_wait3A_217 = tpu.memref_slice %arg12[%dma_wait3A_213, %dma_wait3A_216] : memref<4x128xi32, #tpu.memory_space<vmem>> -> memref<1x128xi32, #tpu.memory_space<vmem>>
    %dma_wait3A_218 = tpu.memref_squeeze %dma_wait3A_217 : memref<1x128xi32, #tpu.memory_space<vmem>> -> memref<128xi32, #tpu.memory_space<vmem>>
    %dma_wait3A_219 = arith.constant 0 : i32
    %dma_wait3A_220 = tpu.memref_slice %arg7[%dma_wait3A_219] : memref<1000000xf32, #tpu.memory_space<hbm>> -> memref<1000000xf32, #tpu.memory_space<hbm>>
    tpu.wait_indirect_dma semaphore(%arg18 : memref<!tpu.dma_semaphore, #tpu.memory_space<semaphore_mem>>) src(%dma_wait3A_220 : memref<1000000xf32, #tpu.memory_space<hbm>>) dst(%dma_wait3A_215 : memref<128xf32, #tpu.memory_space<vmem>>)
    %dma_wait3A_221 = arith.constant 2 : i32
    %dma_wait3A_222 = arith.constant 256 : i32
    %dma_wait3A_223 = arith.constant 0 : i32
    %dma_wait3A_224 = tpu.memref_slice %arg13[%dma_wait3A_222, %dma_wait3A_223] : memref<512x32xf32, #tpu.memory_space<vmem>> -> memref<128x32xf32, #tpu.memory_space<vmem>>
    %dma_wait3A_225 = arith.constant 0 : i32
    %dma_wait3A_226 = tpu.memref_slice %arg11[%dma_wait3A_221, %dma_wait3A_225] : memref<4x128xi32, #tpu.memory_space<vmem>> -> memref<1x128xi32, #tpu.memory_space<vmem>>
    %dma_wait3A_227 = tpu.memref_squeeze %dma_wait3A_226 : memref<1x128xi32, #tpu.memory_space<vmem>> -> memref<128xi32, #tpu.memory_space<vmem>>
    %dma_wait3A_228 = arith.constant 0 : i32
    %dma_wait3A_229 = arith.constant 0 : i32
    %dma_wait3A_230 = tpu.memref_slice %arg4[%dma_wait3A_228, %dma_wait3A_229] : memref<1000000x32xf32, #tpu.memory_space<hbm>> -> memref<1000000x32xf32, #tpu.memory_space<hbm>>
    tpu.wait_indirect_dma semaphore(%arg18 : memref<!tpu.dma_semaphore, #tpu.memory_space<semaphore_mem>>) src(%dma_wait3A_230 : memref<1000000x32xf32, #tpu.memory_space<hbm>>) dst(%dma_wait3A_224 : memref<128x32xf32, #tpu.memory_space<vmem>>)
    %dma_wait3A_231 = arith.constant 2 : i32
    %dma_wait3A_232 = arith.constant 256 : i32
    %dma_wait3A_233 = arith.constant 0 : i32
    %dma_wait3A_234 = tpu.memref_slice %arg14[%dma_wait3A_232, %dma_wait3A_233] : memref<512x32xf32, #tpu.memory_space<vmem>> -> memref<128x32xf32, #tpu.memory_space<vmem>>
    %dma_wait3A_235 = arith.constant 0 : i32
    %dma_wait3A_236 = tpu.memref_slice %arg12[%dma_wait3A_231, %dma_wait3A_235] : memref<4x128xi32, #tpu.memory_space<vmem>> -> memref<1x128xi32, #tpu.memory_space<vmem>>
    %dma_wait3A_237 = tpu.memref_squeeze %dma_wait3A_236 : memref<1x128xi32, #tpu.memory_space<vmem>> -> memref<128xi32, #tpu.memory_space<vmem>>
    %dma_wait3A_238 = arith.constant 0 : i32
    %dma_wait3A_239 = arith.constant 0 : i32
    %dma_wait3A_240 = tpu.memref_slice %arg5[%dma_wait3A_238, %dma_wait3A_239] : memref<1000000x32xf32, #tpu.memory_space<hbm>> -> memref<1000000x32xf32, #tpu.memory_space<hbm>>
    tpu.wait_indirect_dma semaphore(%arg18 : memref<!tpu.dma_semaphore, #tpu.memory_space<semaphore_mem>>) src(%dma_wait3A_240 : memref<1000000x32xf32, #tpu.memory_space<hbm>>) dst(%dma_wait3A_234 : memref<128x32xf32, #tpu.memory_space<vmem>>)
    %dma_wait3A_241 = arith.constant 2 : i32
    %dma_wait3A_242 = arith.constant 256 : i32
    %dma_wait3A_243 = tpu.memref_slice %arg15[%dma_wait3A_242] : memref<512xf32, #tpu.memory_space<vmem>> -> memref<128xf32, #tpu.memory_space<vmem>>
    %dma_wait3A_244 = arith.constant 0 : i32
    %dma_wait3A_245 = tpu.memref_slice %arg11[%dma_wait3A_241, %dma_wait3A_244] : memref<4x128xi32, #tpu.memory_space<vmem>> -> memref<1x128xi32, #tpu.memory_space<vmem>>
    %dma_wait3A_246 = tpu.memref_squeeze %dma_wait3A_245 : memref<1x128xi32, #tpu.memory_space<vmem>> -> memref<128xi32, #tpu.memory_space<vmem>>
    %dma_wait3A_247 = arith.constant 0 : i32
    %dma_wait3A_248 = tpu.memref_slice %arg6[%dma_wait3A_247] : memref<1000000xf32, #tpu.memory_space<hbm>> -> memref<1000000xf32, #tpu.memory_space<hbm>>
    tpu.wait_indirect_dma semaphore(%arg18 : memref<!tpu.dma_semaphore, #tpu.memory_space<semaphore_mem>>) src(%dma_wait3A_248 : memref<1000000xf32, #tpu.memory_space<hbm>>) dst(%dma_wait3A_243 : memref<128xf32, #tpu.memory_space<vmem>>)
    %dma_wait3A_249 = arith.constant 2 : i32
    %dma_wait3A_250 = arith.constant 256 : i32
    %dma_wait3A_251 = tpu.memref_slice %arg16[%dma_wait3A_250] : memref<512xf32, #tpu.memory_space<vmem>> -> memref<128xf32, #tpu.memory_space<vmem>>
    %dma_wait3A_252 = arith.constant 0 : i32
    %dma_wait3A_253 = tpu.memref_slice %arg12[%dma_wait3A_249, %dma_wait3A_252] : memref<4x128xi32, #tpu.memory_space<vmem>> -> memref<1x128xi32, #tpu.memory_space<vmem>>
    %dma_wait3A_254 = tpu.memref_squeeze %dma_wait3A_253 : memref<1x128xi32, #tpu.memory_space<vmem>> -> memref<128xi32, #tpu.memory_space<vmem>>
    %dma_wait3A_255 = arith.constant 0 : i32
    %dma_wait3A_256 = tpu.memref_slice %arg7[%dma_wait3A_255] : memref<1000000xf32, #tpu.memory_space<hbm>> -> memref<1000000xf32, #tpu.memory_space<hbm>>
    tpu.wait_indirect_dma semaphore(%arg18 : memref<!tpu.dma_semaphore, #tpu.memory_space<semaphore_mem>>) src(%dma_wait3A_256 : memref<1000000xf32, #tpu.memory_space<hbm>>) dst(%dma_wait3A_251 : memref<128xf32, #tpu.memory_space<vmem>>)
    %dma_wait3A_257 = arith.constant 3 : i32
    %dma_wait3A_258 = arith.constant 384 : i32
    %dma_wait3A_259 = arith.constant 0 : i32
    %dma_wait3A_260 = tpu.memref_slice %arg13[%dma_wait3A_258, %dma_wait3A_259] : memref<512x32xf32, #tpu.memory_space<vmem>> -> memref<128x32xf32, #tpu.memory_space<vmem>>
    %dma_wait3A_261 = arith.constant 0 : i32
    %dma_wait3A_262 = tpu.memref_slice %arg11[%dma_wait3A_257, %dma_wait3A_261] : memref<4x128xi32, #tpu.memory_space<vmem>> -> memref<1x128xi32, #tpu.memory_space<vmem>>
    %dma_wait3A_263 = tpu.memref_squeeze %dma_wait3A_262 : memref<1x128xi32, #tpu.memory_space<vmem>> -> memref<128xi32, #tpu.memory_space<vmem>>
    %dma_wait3A_264 = arith.constant 0 : i32
    %dma_wait3A_265 = arith.constant 0 : i32
    %dma_wait3A_266 = tpu.memref_slice %arg4[%dma_wait3A_264, %dma_wait3A_265] : memref<1000000x32xf32, #tpu.memory_space<hbm>> -> memref<1000000x32xf32, #tpu.memory_space<hbm>>
    tpu.wait_indirect_dma semaphore(%arg18 : memref<!tpu.dma_semaphore, #tpu.memory_space<semaphore_mem>>) src(%dma_wait3A_266 : memref<1000000x32xf32, #tpu.memory_space<hbm>>) dst(%dma_wait3A_260 : memref<128x32xf32, #tpu.memory_space<vmem>>)
    %dma_wait3A_267 = arith.constant 3 : i32
    %dma_wait3A_268 = arith.constant 384 : i32
    %dma_wait3A_269 = arith.constant 0 : i32
    %dma_wait3A_270 = tpu.memref_slice %arg14[%dma_wait3A_268, %dma_wait3A_269] : memref<512x32xf32, #tpu.memory_space<vmem>> -> memref<128x32xf32, #tpu.memory_space<vmem>>
    %dma_wait3A_271 = arith.constant 0 : i32
    %dma_wait3A_272 = tpu.memref_slice %arg12[%dma_wait3A_267, %dma_wait3A_271] : memref<4x128xi32, #tpu.memory_space<vmem>> -> memref<1x128xi32, #tpu.memory_space<vmem>>
    %dma_wait3A_273 = tpu.memref_squeeze %dma_wait3A_272 : memref<1x128xi32, #tpu.memory_space<vmem>> -> memref<128xi32, #tpu.memory_space<vmem>>
    %dma_wait3A_274 = arith.constant 0 : i32
    %dma_wait3A_275 = arith.constant 0 : i32
    %dma_wait3A_276 = tpu.memref_slice %arg5[%dma_wait3A_274, %dma_wait3A_275] : memref<1000000x32xf32, #tpu.memory_space<hbm>> -> memref<1000000x32xf32, #tpu.memory_space<hbm>>
    tpu.wait_indirect_dma semaphore(%arg18 : memref<!tpu.dma_semaphore, #tpu.memory_space<semaphore_mem>>) src(%dma_wait3A_276 : memref<1000000x32xf32, #tpu.memory_space<hbm>>) dst(%dma_wait3A_270 : memref<128x32xf32, #tpu.memory_space<vmem>>)
    %dma_wait3A_277 = arith.constant 3 : i32
    %dma_wait3A_278 = arith.constant 384 : i32
    %dma_wait3A_279 = tpu.memref_slice %arg15[%dma_wait3A_278] : memref<512xf32, #tpu.memory_space<vmem>> -> memref<128xf32, #tpu.memory_space<vmem>>
    %dma_wait3A_280 = arith.constant 0 : i32
    %dma_wait3A_281 = tpu.memref_slice %arg11[%dma_wait3A_277, %dma_wait3A_280] : memref<4x128xi32, #tpu.memory_space<vmem>> -> memref<1x128xi32, #tpu.memory_space<vmem>>
    %dma_wait3A_282 = tpu.memref_squeeze %dma_wait3A_281 : memref<1x128xi32, #tpu.memory_space<vmem>> -> memref<128xi32, #tpu.memory_space<vmem>>
    %dma_wait3A_283 = arith.constant 0 : i32
    %dma_wait3A_284 = tpu.memref_slice %arg6[%dma_wait3A_283] : memref<1000000xf32, #tpu.memory_space<hbm>> -> memref<1000000xf32, #tpu.memory_space<hbm>>
    tpu.wait_indirect_dma semaphore(%arg18 : memref<!tpu.dma_semaphore, #tpu.memory_space<semaphore_mem>>) src(%dma_wait3A_284 : memref<1000000xf32, #tpu.memory_space<hbm>>) dst(%dma_wait3A_279 : memref<128xf32, #tpu.memory_space<vmem>>)
    %dma_wait3A_285 = arith.constant 3 : i32
    %dma_wait3A_286 = arith.constant 384 : i32
    %dma_wait3A_287 = tpu.memref_slice %arg16[%dma_wait3A_286] : memref<512xf32, #tpu.memory_space<vmem>> -> memref<128xf32, #tpu.memory_space<vmem>>
    %dma_wait3A_288 = arith.constant 0 : i32
    %dma_wait3A_289 = tpu.memref_slice %arg12[%dma_wait3A_285, %dma_wait3A_288] : memref<4x128xi32, #tpu.memory_space<vmem>> -> memref<1x128xi32, #tpu.memory_space<vmem>>
    %dma_wait3A_290 = tpu.memref_squeeze %dma_wait3A_289 : memref<1x128xi32, #tpu.memory_space<vmem>> -> memref<128xi32, #tpu.memory_space<vmem>>
    %dma_wait3A_291 = arith.constant 0 : i32
    %dma_wait3A_292 = tpu.memref_slice %arg7[%dma_wait3A_291] : memref<1000000xf32, #tpu.memory_space<hbm>> -> memref<1000000xf32, #tpu.memory_space<hbm>>
    tpu.wait_indirect_dma semaphore(%arg18 : memref<!tpu.dma_semaphore, #tpu.memory_space<semaphore_mem>>) src(%dma_wait3A_292 : memref<1000000xf32, #tpu.memory_space<hbm>>) dst(%dma_wait3A_287 : memref<128xf32, #tpu.memory_space<vmem>>)
    %get3A = arith.constant 0 : index
    %get3A_293 = tpu.vector_load %arg15[%get3A] {strides = array<i32>} : memref<512xf32, #tpu.memory_space<vmem>>, vector<16xf32>,
    %get3A_294 = vector.shape_cast %get3A_293 : vector<16xf32> to vector<16xf32>
    %get3A_295 = arith.constant 0 : index
    %get3A_296 = tpu.vector_load %arg16[%get3A_295] {strides = array<i32>} : memref<512xf32, #tpu.memory_space<vmem>>, vector<16xf32>,
    %get3A_297 = vector.shape_cast %get3A_296 : vector<16xf32> to vector<16xf32>
    %add3A_298 = arith.addf %get3A_294, %get3A_297 : vector<16xf32>
    %swap3A = arith.constant 0 : index
    %swap3A_299 = tpu.vector_load %arg17[%swap3A] {strides = array<i32>} : memref<512xf32, #tpu.memory_space<vmem>>, vector<16xf32>,
    %swap3A_300 = vector.shape_cast %swap3A_299 : vector<16xf32> to vector<16xf32>
    %swap3A_301 = vector.shape_cast %add3A_298 : vector<16xf32> to vector<16xf32>
    tpu.vector_store %arg17[%swap3A], %swap3A_301 {strides = array<i32>} : memref<512xf32, #tpu.memory_space<vmem>>, vector<16xf32>,
    %get3A_302 = arith.constant 16 : index
    %get3A_303 = tpu.vector_load %arg15[%get3A_302] {strides = array<i32>} : memref<512xf32, #tpu.memory_space<vmem>>, vector<16xf32>,
    %get3A_304 = vector.shape_cast %get3A_303 : vector<16xf32> to vector<16xf32>
    %get3A_305 = arith.constant 16 : index
    %get3A_306 = tpu.vector_load %arg16[%get3A_305] {strides = array<i32>} : memref<512xf32, #tpu.memory_space<vmem>>, vector<16xf32>,
    %get3A_307 = vector.shape_cast %get3A_306 : vector<16xf32> to vector<16xf32>
    %add3A_308 = arith.addf %get3A_304, %get3A_307 : vector<16xf32>
    %swap3A_309 = arith.constant 16 : index
    %swap3A_310 = tpu.vector_load %arg17[%swap3A_309] {strides = array<i32>} : memref<512xf32, #tpu.memory_space<vmem>>, vector<16xf32>,
    %swap3A_311 = vector.shape_cast %swap3A_310 : vector<16xf32> to vector<16xf32>
    %swap3A_312 = vector.shape_cast %add3A_308 : vector<16xf32> to vector<16xf32>
    tpu.vector_store %arg17[%swap3A_309], %swap3A_312 {strides = array<i32>} : memref<512xf32, #tpu.memory_space<vmem>>, vector<16xf32>,
    %get3A_313 = arith.constant 32 : index
    %get3A_314 = tpu.vector_load %arg15[%get3A_313] {strides = array<i32>} : memref<512xf32, #tpu.memory_space<vmem>>, vector<16xf32>,
    %get3A_315 = vector.shape_cast %get3A_314 : vector<16xf32> to vector<16xf32>
    %get3A_316 = arith.constant 32 : index
    %get3A_317 = tpu.vector_load %arg16[%get3A_316] {strides = array<i32>} : memref<512xf32, #tpu.memory_space<vmem>>, vector<16xf32>,
    %get3A_318 = vector.shape_cast %get3A_317 : vector<16xf32> to vector<16xf32>
    %add3A_319 = arith.addf %get3A_315, %get3A_318 : vector<16xf32>
    %swap3A_320 = arith.constant 32 : index
    %swap3A_321 = tpu.vector_load %arg17[%swap3A_320] {strides = array<i32>} : memref<512xf32, #tpu.memory_space<vmem>>, vector<16xf32>,
    %swap3A_322 = vector.shape_cast %swap3A_321 : vector<16xf32> to vector<16xf32>
    %swap3A_323 = vector.shape_cast %add3A_319 : vector<16xf32> to vector<16xf32>
    tpu.vector_store %arg17[%swap3A_320], %swap3A_323 {strides = array<i32>} : memref<512xf32, #tpu.memory_space<vmem>>, vector<16xf32>,
    %get3A_324 = arith.constant 48 : index
    %get3A_325 = tpu.vector_load %arg15[%get3A_324] {strides = array<i32>} : memref<512xf32, #tpu.memory_space<vmem>>, vector<16xf32>,
    %get3A_326 = vector.shape_cast %get3A_325 : vector<16xf32> to vector<16xf32>
    %get3A_327 = arith.constant 48 : index
    %get3A_328 = tpu.vector_load %arg16[%get3A_327] {strides = array<i32>} : memref<512xf32, #tpu.memory_space<vmem>>, vector<16xf32>,
    %get3A_329 = vector.shape_cast %get3A_328 : vector<16xf32> to vector<16xf32>
    %add3A_330 = arith.addf %get3A_326, %get3A_329 : vector<16xf32>
    %swap3A_331 = arith.constant 48 : index
    %swap3A_332 = tpu.vector_load %arg17[%swap3A_331] {strides = array<i32>} : memref<512xf32, #tpu.memory_space<vmem>>, vector<16xf32>,
    %swap3A_333 = vector.shape_cast %swap3A_332 : vector<16xf32> to vector<16xf32>
    %swap3A_334 = vector.shape_cast %add3A_330 : vector<16xf32> to vector<16xf32>
    tpu.vector_store %arg17[%swap3A_331], %swap3A_334 {strides = array<i32>} : memref<512xf32, #tpu.memory_space<vmem>>, vector<16xf32>,
    %get3A_335 = arith.constant 64 : index
    %get3A_336 = tpu.vector_load %arg15[%get3A_335] {strides = array<i32>} : memref<512xf32, #tpu.memory_space<vmem>>, vector<16xf32>,
    %get3A_337 = vector.shape_cast %get3A_336 : vector<16xf32> to vector<16xf32>
    %get3A_338 = arith.constant 64 : index
    %get3A_339 = tpu.vector_load %arg16[%get3A_338] {strides = array<i32>} : memref<512xf32, #tpu.memory_space<vmem>>, vector<16xf32>,
    %get3A_340 = vector.shape_cast %get3A_339 : vector<16xf32> to vector<16xf32>
    %add3A_341 = arith.addf %get3A_337, %get3A_340 : vector<16xf32>
    %swap3A_342 = arith.constant 64 : index
    %swap3A_343 = tpu.vector_load %arg17[%swap3A_342] {strides = array<i32>} : memref<512xf32, #tpu.memory_space<vmem>>, vector<16xf32>,
    %swap3A_344 = vector.shape_cast %swap3A_343 : vector<16xf32> to vector<16xf32>
    %swap3A_345 = vector.shape_cast %add3A_341 : vector<16xf32> to vector<16xf32>
    tpu.vector_store %arg17[%swap3A_342], %swap3A_345 {strides = array<i32>} : memref<512xf32, #tpu.memory_space<vmem>>, vector<16xf32>,
    %get3A_346 = arith.constant 80 : index
    %get3A_347 = tpu.vector_load %arg15[%get3A_346] {strides = array<i32>} : memref<512xf32, #tpu.memory_space<vmem>>, vector<16xf32>,
    %get3A_348 = vector.shape_cast %get3A_347 : vector<16xf32> to vector<16xf32>
    %get3A_349 = arith.constant 80 : index
    %get3A_350 = tpu.vector_load %arg16[%get3A_349] {strides = array<i32>} : memref<512xf32, #tpu.memory_space<vmem>>, vector<16xf32>,
    %get3A_351 = vector.shape_cast %get3A_350 : vector<16xf32> to vector<16xf32>
    %add3A_352 = arith.addf %get3A_348, %get3A_351 : vector<16xf32>
    %swap3A_353 = arith.constant 80 : index
    %swap3A_354 = tpu.vector_load %arg17[%swap3A_353] {strides = array<i32>} : memref<512xf32, #tpu.memory_space<vmem>>, vector<16xf32>,
    %swap3A_355 = vector.shape_cast %swap3A_354 : vector<16xf32> to vector<16xf32>
    %swap3A_356 = vector.shape_cast %add3A_352 : vector<16xf32> to vector<16xf32>
    tpu.vector_store %arg17[%swap3A_353], %swap3A_356 {strides = array<i32>} : memref<512xf32, #tpu.memory_space<vmem>>, vector<16xf32>,
    %get3A_357 = arith.constant 96 : index
    %get3A_358 = tpu.vector_load %arg15[%get3A_357] {strides = array<i32>} : memref<512xf32, #tpu.memory_space<vmem>>, vector<16xf32>,
    %get3A_359 = vector.shape_cast %get3A_358 : vector<16xf32> to vector<16xf32>
    %get3A_360 = arith.constant 96 : index
    %get3A_361 = tpu.vector_load %arg16[%get3A_360] {strides = array<i32>} : memref<512xf32, #tpu.memory_space<vmem>>, vector<16xf32>,
    %get3A_362 = vector.shape_cast %get3A_361 : vector<16xf32> to vector<16xf32>
    %add3A_363 = arith.addf %get3A_359, %get3A_362 : vector<16xf32>
    %swap3A_364 = arith.constant 96 : index
    %swap3A_365 = tpu.vector_load %arg17[%swap3A_364] {strides = array<i32>} : memref<512xf32, #tpu.memory_space<vmem>>, vector<16xf32>,
    %swap3A_366 = vector.shape_cast %swap3A_365 : vector<16xf32> to vector<16xf32>
    %swap3A_367 = vector.shape_cast %add3A_363 : vector<16xf32> to vector<16xf32>
    tpu.vector_store %arg17[%swap3A_364], %swap3A_367 {strides = array<i32>} : memref<512xf32, #tpu.memory_space<vmem>>, vector<16xf32>,
    %get3A_368 = arith.constant 112 : index
    %get3A_369 = tpu.vector_load %arg15[%get3A_368] {strides = array<i32>} : memref<512xf32, #tpu.memory_space<vmem>>, vector<16xf32>,
    %get3A_370 = vector.shape_cast %get3A_369 : vector<16xf32> to vector<16xf32>
    %get3A_371 = arith.constant 112 : index
    %get3A_372 = tpu.vector_load %arg16[%get3A_371] {strides = array<i32>} : memref<512xf32, #tpu.memory_space<vmem>>, vector<16xf32>,
    %get3A_373 = vector.shape_cast %get3A_372 : vector<16xf32> to vector<16xf32>
    %add3A_374 = arith.addf %get3A_370, %get3A_373 : vector<16xf32>
    %swap3A_375 = arith.constant 112 : index
    %swap3A_376 = tpu.vector_load %arg17[%swap3A_375] {strides = array<i32>} : memref<512xf32, #tpu.memory_space<vmem>>, vector<16xf32>,
    %swap3A_377 = vector.shape_cast %swap3A_376 : vector<16xf32> to vector<16xf32>
    %swap3A_378 = vector.shape_cast %add3A_374 : vector<16xf32> to vector<16xf32>
    tpu.vector_store %arg17[%swap3A_375], %swap3A_378 {strides = array<i32>} : memref<512xf32, #tpu.memory_space<vmem>>, vector<16xf32>,
    %get3A_379 = arith.constant 128 : index
    %get3A_380 = tpu.vector_load %arg15[%get3A_379] {strides = array<i32>} : memref<512xf32, #tpu.memory_space<vmem>>, vector<16xf32>,
    %get3A_381 = vector.shape_cast %get3A_380 : vector<16xf32> to vector<16xf32>
    %get3A_382 = arith.constant 128 : index
    %get3A_383 = tpu.vector_load %arg16[%get3A_382] {strides = array<i32>} : memref<512xf32, #tpu.memory_space<vmem>>, vector<16xf32>,
    %get3A_384 = vector.shape_cast %get3A_383 : vector<16xf32> to vector<16xf32>
    %add3A_385 = arith.addf %get3A_381, %get3A_384 : vector<16xf32>
    %swap3A_386 = arith.constant 128 : index
    %swap3A_387 = tpu.vector_load %arg17[%swap3A_386] {strides = array<i32>} : memref<512xf32, #tpu.memory_space<vmem>>, vector<16xf32>,
    %swap3A_388 = vector.shape_cast %swap3A_387 : vector<16xf32> to vector<16xf32>
    %swap3A_389 = vector.shape_cast %add3A_385 : vector<16xf32> to vector<16xf32>
    tpu.vector_store %arg17[%swap3A_386], %swap3A_389 {strides = array<i32>} : memref<512xf32, #tpu.memory_space<vmem>>, vector<16xf32>,
    %get3A_390 = arith.constant 144 : index
    %get3A_391 = tpu.vector_load %arg15[%get3A_390] {strides = array<i32>} : memref<512xf32, #tpu.memory_space<vmem>>, vector<16xf32>,
    %get3A_392 = vector.shape_cast %get3A_391 : vector<16xf32> to vector<16xf32>
    %get3A_393 = arith.constant 144 : index
    %get3A_394 = tpu.vector_load %arg16[%get3A_393] {strides = array<i32>} : memref<512xf32, #tpu.memory_space<vmem>>, vector<16xf32>,
    %get3A_395 = vector.shape_cast %get3A_394 : vector<16xf32> to vector<16xf32>
    %add3A_396 = arith.addf %get3A_392, %get3A_395 : vector<16xf32>
    %swap3A_397 = arith.constant 144 : index
    %swap3A_398 = tpu.vector_load %arg17[%swap3A_397] {strides = array<i32>} : memref<512xf32, #tpu.memory_space<vmem>>, vector<16xf32>,
    %swap3A_399 = vector.shape_cast %swap3A_398 : vector<16xf32> to vector<16xf32>
    %swap3A_400 = vector.shape_cast %add3A_396 : vector<16xf32> to vector<16xf32>
    tpu.vector_store %arg17[%swap3A_397], %swap3A_400 {strides = array<i32>} : memref<512xf32, #tpu.memory_space<vmem>>, vector<16xf32>,
    %get3A_401 = arith.constant 160 : index
    %get3A_402 = tpu.vector_load %arg15[%get3A_401] {strides = array<i32>} : memref<512xf32, #tpu.memory_space<vmem>>, vector<16xf32>,
    %get3A_403 = vector.shape_cast %get3A_402 : vector<16xf32> to vector<16xf32>
    %get3A_404 = arith.constant 160 : index
    %get3A_405 = tpu.vector_load %arg16[%get3A_404] {strides = array<i32>} : memref<512xf32, #tpu.memory_space<vmem>>, vector<16xf32>,
    %get3A_406 = vector.shape_cast %get3A_405 : vector<16xf32> to vector<16xf32>
    %add3A_407 = arith.addf %get3A_403, %get3A_406 : vector<16xf32>
    %swap3A_408 = arith.constant 160 : index
    %swap3A_409 = tpu.vector_load %arg17[%swap3A_408] {strides = array<i32>} : memref<512xf32, #tpu.memory_space<vmem>>, vector<16xf32>,
    %swap3A_410 = vector.shape_cast %swap3A_409 : vector<16xf32> to vector<16xf32>
    %swap3A_411 = vector.shape_cast %add3A_407 : vector<16xf32> to vector<16xf32>
    tpu.vector_store %arg17[%swap3A_408], %swap3A_411 {strides = array<i32>} : memref<512xf32, #tpu.memory_space<vmem>>, vector<16xf32>,
    %get3A_412 = arith.constant 176 : index
    %get3A_413 = tpu.vector_load %arg15[%get3A_412] {strides = array<i32>} : memref<512xf32, #tpu.memory_space<vmem>>, vector<16xf32>,
    %get3A_414 = vector.shape_cast %get3A_413 : vector<16xf32> to vector<16xf32>
    %get3A_415 = arith.constant 176 : index
    %get3A_416 = tpu.vector_load %arg16[%get3A_415] {strides = array<i32>} : memref<512xf32, #tpu.memory_space<vmem>>, vector<16xf32>,
    %get3A_417 = vector.shape_cast %get3A_416 : vector<16xf32> to vector<16xf32>
    %add3A_418 = arith.addf %get3A_414, %get3A_417 : vector<16xf32>
    %swap3A_419 = arith.constant 176 : index
    %swap3A_420 = tpu.vector_load %arg17[%swap3A_419] {strides = array<i32>} : memref<512xf32, #tpu.memory_space<vmem>>, vector<16xf32>,
    %swap3A_421 = vector.shape_cast %swap3A_420 : vector<16xf32> to vector<16xf32>
    %swap3A_422 = vector.shape_cast %add3A_418 : vector<16xf32> to vector<16xf32>
    tpu.vector_store %arg17[%swap3A_419], %swap3A_422 {strides = array<i32>} : memref<512xf32, #tpu.memory_space<vmem>>, vector<16xf32>,
    %get3A_423 = arith.constant 192 : index
    %get3A_424 = tpu.vector_load %arg15[%get3A_423] {strides = array<i32>} : memref<512xf32, #tpu.memory_space<vmem>>, vector<16xf32>,
    %get3A_425 = vector.shape_cast %get3A_424 : vector<16xf32> to vector<16xf32>
    %get3A_426 = arith.constant 192 : index
    %get3A_427 = tpu.vector_load %arg16[%get3A_426] {strides = array<i32>} : memref<512xf32, #tpu.memory_space<vmem>>, vector<16xf32>,
    %get3A_428 = vector.shape_cast %get3A_427 : vector<16xf32> to vector<16xf32>
    %add3A_429 = arith.addf %get3A_425, %get3A_428 : vector<16xf32>
    %swap3A_430 = arith.constant 192 : index
    %swap3A_431 = tpu.vector_load %arg17[%swap3A_430] {strides = array<i32>} : memref<512xf32, #tpu.memory_space<vmem>>, vector<16xf32>,
    %swap3A_432 = vector.shape_cast %swap3A_431 : vector<16xf32> to vector<16xf32>
    %swap3A_433 = vector.shape_cast %add3A_429 : vector<16xf32> to vector<16xf32>
    tpu.vector_store %arg17[%swap3A_430], %swap3A_433 {strides = array<i32>} : memref<512xf32, #tpu.memory_space<vmem>>, vector<16xf32>,
    %get3A_434 = arith.constant 208 : index
    %get3A_435 = tpu.vector_load %arg15[%get3A_434] {strides = array<i32>} : memref<512xf32, #tpu.memory_space<vmem>>, vector<16xf32>,
    %get3A_436 = vector.shape_cast %get3A_435 : vector<16xf32> to vector<16xf32>
    %get3A_437 = arith.constant 208 : index
    %get3A_438 = tpu.vector_load %arg16[%get3A_437] {strides = array<i32>} : memref<512xf32, #tpu.memory_space<vmem>>, vector<16xf32>,
    %get3A_439 = vector.shape_cast %get3A_438 : vector<16xf32> to vector<16xf32>
    %add3A_440 = arith.addf %get3A_436, %get3A_439 : vector<16xf32>
    %swap3A_441 = arith.constant 208 : index
    %swap3A_442 = tpu.vector_load %arg17[%swap3A_441] {strides = array<i32>} : memref<512xf32, #tpu.memory_space<vmem>>, vector<16xf32>,
    %swap3A_443 = vector.shape_cast %swap3A_442 : vector<16xf32> to vector<16xf32>
    %swap3A_444 = vector.shape_cast %add3A_440 : vector<16xf32> to vector<16xf32>
    tpu.vector_store %arg17[%swap3A_441], %swap3A_444 {strides = array<i32>} : memref<512xf32, #tpu.memory_space<vmem>>, vector<16xf32>,
    %get3A_445 = arith.constant 224 : index
    %get3A_446 = tpu.vector_load %arg15[%get3A_445] {strides = array<i32>} : memref<512xf32, #tpu.memory_space<vmem>>, vector<16xf32>,
    %get3A_447 = vector.shape_cast %get3A_446 : vector<16xf32> to vector<16xf32>
    %get3A_448 = arith.constant 224 : index
    %get3A_449 = tpu.vector_load %arg16[%get3A_448] {strides = array<i32>} : memref<512xf32, #tpu.memory_space<vmem>>, vector<16xf32>,
    %get3A_450 = vector.shape_cast %get3A_449 : vector<16xf32> to vector<16xf32>
    %add3A_451 = arith.addf %get3A_447, %get3A_450 : vector<16xf32>
    %swap3A_452 = arith.constant 224 : index
    %swap3A_453 = tpu.vector_load %arg17[%swap3A_452] {strides = array<i32>} : memref<512xf32, #tpu.memory_space<vmem>>, vector<16xf32>,
    %swap3A_454 = vector.shape_cast %swap3A_453 : vector<16xf32> to vector<16xf32>
    %swap3A_455 = vector.shape_cast %add3A_451 : vector<16xf32> to vector<16xf32>
    tpu.vector_store %arg17[%swap3A_452], %swap3A_455 {strides = array<i32>} : memref<512xf32, #tpu.memory_space<vmem>>, vector<16xf32>,
    %get3A_456 = arith.constant 240 : index
    %get3A_457 = tpu.vector_load %arg15[%get3A_456] {strides = array<i32>} : memref<512xf32, #tpu.memory_space<vmem>>, vector<16xf32>,
    %get3A_458 = vector.shape_cast %get3A_457 : vector<16xf32> to vector<16xf32>
    %get3A_459 = arith.constant 240 : index
    %get3A_460 = tpu.vector_load %arg16[%get3A_459] {strides = array<i32>} : memref<512xf32, #tpu.memory_space<vmem>>, vector<16xf32>,
    %get3A_461 = vector.shape_cast %get3A_460 : vector<16xf32> to vector<16xf32>
    %add3A_462 = arith.addf %get3A_458, %get3A_461 : vector<16xf32>
    %swap3A_463 = arith.constant 240 : index
    %swap3A_464 = tpu.vector_load %arg17[%swap3A_463] {strides = array<i32>} : memref<512xf32, #tpu.memory_space<vmem>>, vector<16xf32>,
    %swap3A_465 = vector.shape_cast %swap3A_464 : vector<16xf32> to vector<16xf32>
    %swap3A_466 = vector.shape_cast %add3A_462 : vector<16xf32> to vector<16xf32>
    tpu.vector_store %arg17[%swap3A_463], %swap3A_466 {strides = array<i32>} : memref<512xf32, #tpu.memory_space<vmem>>, vector<16xf32>,
    %get3A_467 = arith.constant 256 : index
    %get3A_468 = tpu.vector_load %arg15[%get3A_467] {strides = array<i32>} : memref<512xf32, #tpu.memory_space<vmem>>, vector<16xf32>,
    %get3A_469 = vector.shape_cast %get3A_468 : vector<16xf32> to vector<16xf32>
    %get3A_470 = arith.constant 256 : index
    %get3A_471 = tpu.vector_load %arg16[%get3A_470] {strides = array<i32>} : memref<512xf32, #tpu.memory_space<vmem>>, vector<16xf32>,
    %get3A_472 = vector.shape_cast %get3A_471 : vector<16xf32> to vector<16xf32>
    %add3A_473 = arith.addf %get3A_469, %get3A_472 : vector<16xf32>
    %swap3A_474 = arith.constant 256 : index
    %swap3A_475 = tpu.vector_load %arg17[%swap3A_474] {strides = array<i32>} : memref<512xf32, #tpu.memory_space<vmem>>, vector<16xf32>,
    %swap3A_476 = vector.shape_cast %swap3A_475 : vector<16xf32> to vector<16xf32>
    %swap3A_477 = vector.shape_cast %add3A_473 : vector<16xf32> to vector<16xf32>
    tpu.vector_store %arg17[%swap3A_474], %swap3A_477 {strides = array<i32>} : memref<512xf32, #tpu.memory_space<vmem>>, vector<16xf32>,
    %get3A_478 = arith.constant 272 : index
    %get3A_479 = tpu.vector_load %arg15[%get3A_478] {strides = array<i32>} : memref<512xf32, #tpu.memory_space<vmem>>, vector<16xf32>,
    %get3A_480 = vector.shape_cast %get3A_479 : vector<16xf32> to vector<16xf32>
    %get3A_481 = arith.constant 272 : index
    %get3A_482 = tpu.vector_load %arg16[%get3A_481] {strides = array<i32>} : memref<512xf32, #tpu.memory_space<vmem>>, vector<16xf32>,
    %get3A_483 = vector.shape_cast %get3A_482 : vector<16xf32> to vector<16xf32>
    %add3A_484 = arith.addf %get3A_480, %get3A_483 : vector<16xf32>
    %swap3A_485 = arith.constant 272 : index
    %swap3A_486 = tpu.vector_load %arg17[%swap3A_485] {strides = array<i32>} : memref<512xf32, #tpu.memory_space<vmem>>, vector<16xf32>,
    %swap3A_487 = vector.shape_cast %swap3A_486 : vector<16xf32> to vector<16xf32>
    %swap3A_488 = vector.shape_cast %add3A_484 : vector<16xf32> to vector<16xf32>
    tpu.vector_store %arg17[%swap3A_485], %swap3A_488 {strides = array<i32>} : memref<512xf32, #tpu.memory_space<vmem>>, vector<16xf32>,
    %get3A_489 = arith.constant 288 : index
    %get3A_490 = tpu.vector_load %arg15[%get3A_489] {strides = array<i32>} : memref<512xf32, #tpu.memory_space<vmem>>, vector<16xf32>,
    %get3A_491 = vector.shape_cast %get3A_490 : vector<16xf32> to vector<16xf32>
    %get3A_492 = arith.constant 288 : index
    %get3A_493 = tpu.vector_load %arg16[%get3A_492] {strides = array<i32>} : memref<512xf32, #tpu.memory_space<vmem>>, vector<16xf32>,
    %get3A_494 = vector.shape_cast %get3A_493 : vector<16xf32> to vector<16xf32>
    %add3A_495 = arith.addf %get3A_491, %get3A_494 : vector<16xf32>
    %swap3A_496 = arith.constant 288 : index
    %swap3A_497 = tpu.vector_load %arg17[%swap3A_496] {strides = array<i32>} : memref<512xf32, #tpu.memory_space<vmem>>, vector<16xf32>,
    %swap3A_498 = vector.shape_cast %swap3A_497 : vector<16xf32> to vector<16xf32>
    %swap3A_499 = vector.shape_cast %add3A_495 : vector<16xf32> to vector<16xf32>
    tpu.vector_store %arg17[%swap3A_496], %swap3A_499 {strides = array<i32>} : memref<512xf32, #tpu.memory_space<vmem>>, vector<16xf32>,
    %get3A_500 = arith.constant 304 : index
    %get3A_501 = tpu.vector_load %arg15[%get3A_500] {strides = array<i32>} : memref<512xf32, #tpu.memory_space<vmem>>, vector<16xf32>,
    %get3A_502 = vector.shape_cast %get3A_501 : vector<16xf32> to vector<16xf32>
    %get3A_503 = arith.constant 304 : index
    %get3A_504 = tpu.vector_load %arg16[%get3A_503] {strides = array<i32>} : memref<512xf32, #tpu.memory_space<vmem>>, vector<16xf32>,
    %get3A_505 = vector.shape_cast %get3A_504 : vector<16xf32> to vector<16xf32>
    %add3A_506 = arith.addf %get3A_502, %get3A_505 : vector<16xf32>
    %swap3A_507 = arith.constant 304 : index
    %swap3A_508 = tpu.vector_load %arg17[%swap3A_507] {strides = array<i32>} : memref<512xf32, #tpu.memory_space<vmem>>, vector<16xf32>,
    %swap3A_509 = vector.shape_cast %swap3A_508 : vector<16xf32> to vector<16xf32>
    %swap3A_510 = vector.shape_cast %add3A_506 : vector<16xf32> to vector<16xf32>
    tpu.vector_store %arg17[%swap3A_507], %swap3A_510 {strides = array<i32>} : memref<512xf32, #tpu.memory_space<vmem>>, vector<16xf32>,
    %get3A_511 = arith.constant 320 : index
    %get3A_512 = tpu.vector_load %arg15[%get3A_511] {strides = array<i32>} : memref<512xf32, #tpu.memory_space<vmem>>, vector<16xf32>,
    %get3A_513 = vector.shape_cast %get3A_512 : vector<16xf32> to vector<16xf32>
    %get3A_514 = arith.constant 320 : index
    %get3A_515 = tpu.vector_load %arg16[%get3A_514] {strides = array<i32>} : memref<512xf32, #tpu.memory_space<vmem>>, vector<16xf32>,
    %get3A_516 = vector.shape_cast %get3A_515 : vector<16xf32> to vector<16xf32>
    %add3A_517 = arith.addf %get3A_513, %get3A_516 : vector<16xf32>
    %swap3A_518 = arith.constant 320 : index
    %swap3A_519 = tpu.vector_load %arg17[%swap3A_518] {strides = array<i32>} : memref<512xf32, #tpu.memory_space<vmem>>, vector<16xf32>,
    %swap3A_520 = vector.shape_cast %swap3A_519 : vector<16xf32> to vector<16xf32>
    %swap3A_521 = vector.shape_cast %add3A_517 : vector<16xf32> to vector<16xf32>
    tpu.vector_store %arg17[%swap3A_518], %swap3A_521 {strides = array<i32>} : memref<512xf32, #tpu.memory_space<vmem>>, vector<16xf32>,
    %get3A_522 = arith.constant 336 : index
    %get3A_523 = tpu.vector_load %arg15[%get3A_522] {strides = array<i32>} : memref<512xf32, #tpu.memory_space<vmem>>, vector<16xf32>,
    %get3A_524 = vector.shape_cast %get3A_523 : vector<16xf32> to vector<16xf32>
    %get3A_525 = arith.constant 336 : index
    %get3A_526 = tpu.vector_load %arg16[%get3A_525] {strides = array<i32>} : memref<512xf32, #tpu.memory_space<vmem>>, vector<16xf32>,
    %get3A_527 = vector.shape_cast %get3A_526 : vector<16xf32> to vector<16xf32>
    %add3A_528 = arith.addf %get3A_524, %get3A_527 : vector<16xf32>
    %swap3A_529 = arith.constant 336 : index
    %swap3A_530 = tpu.vector_load %arg17[%swap3A_529] {strides = array<i32>} : memref<512xf32, #tpu.memory_space<vmem>>, vector<16xf32>,
    %swap3A_531 = vector.shape_cast %swap3A_530 : vector<16xf32> to vector<16xf32>
    %swap3A_532 = vector.shape_cast %add3A_528 : vector<16xf32> to vector<16xf32>
    tpu.vector_store %arg17[%swap3A_529], %swap3A_532 {strides = array<i32>} : memref<512xf32, #tpu.memory_space<vmem>>, vector<16xf32>,
    %get3A_533 = arith.constant 352 : index
    %get3A_534 = tpu.vector_load %arg15[%get3A_533] {strides = array<i32>} : memref<512xf32, #tpu.memory_space<vmem>>, vector<16xf32>,
    %get3A_535 = vector.shape_cast %get3A_534 : vector<16xf32> to vector<16xf32>
    %get3A_536 = arith.constant 352 : index
    %get3A_537 = tpu.vector_load %arg16[%get3A_536] {strides = array<i32>} : memref<512xf32, #tpu.memory_space<vmem>>, vector<16xf32>,
    %get3A_538 = vector.shape_cast %get3A_537 : vector<16xf32> to vector<16xf32>
    %add3A_539 = arith.addf %get3A_535, %get3A_538 : vector<16xf32>
    %swap3A_540 = arith.constant 352 : index
    %swap3A_541 = tpu.vector_load %arg17[%swap3A_540] {strides = array<i32>} : memref<512xf32, #tpu.memory_space<vmem>>, vector<16xf32>,
    %swap3A_542 = vector.shape_cast %swap3A_541 : vector<16xf32> to vector<16xf32>
    %swap3A_543 = vector.shape_cast %add3A_539 : vector<16xf32> to vector<16xf32>
    tpu.vector_store %arg17[%swap3A_540], %swap3A_543 {strides = array<i32>} : memref<512xf32, #tpu.memory_space<vmem>>, vector<16xf32>,
    %get3A_544 = arith.constant 368 : index
    %get3A_545 = tpu.vector_load %arg15[%get3A_544] {strides = array<i32>} : memref<512xf32, #tpu.memory_space<vmem>>, vector<16xf32>,
    %get3A_546 = vector.shape_cast %get3A_545 : vector<16xf32> to vector<16xf32>
    %get3A_547 = arith.constant 368 : index
    %get3A_548 = tpu.vector_load %arg16[%get3A_547] {strides = array<i32>} : memref<512xf32, #tpu.memory_space<vmem>>, vector<16xf32>,
    %get3A_549 = vector.shape_cast %get3A_548 : vector<16xf32> to vector<16xf32>
    %add3A_550 = arith.addf %get3A_546, %get3A_549 : vector<16xf32>
    %swap3A_551 = arith.constant 368 : index
    %swap3A_552 = tpu.vector_load %arg17[%swap3A_551] {strides = array<i32>} : memref<512xf32, #tpu.memory_space<vmem>>, vector<16xf32>,
    %swap3A_553 = vector.shape_cast %swap3A_552 : vector<16xf32> to vector<16xf32>
    %swap3A_554 = vector.shape_cast %add3A_550 : vector<16xf32> to vector<16xf32>
    tpu.vector_store %arg17[%swap3A_551], %swap3A_554 {strides = array<i32>} : memref<512xf32, #tpu.memory_space<vmem>>, vector<16xf32>,
    %get3A_555 = arith.constant 384 : index
    %get3A_556 = tpu.vector_load %arg15[%get3A_555] {strides = array<i32>} : memref<512xf32, #tpu.memory_space<vmem>>, vector<16xf32>,
    %get3A_557 = vector.shape_cast %get3A_556 : vector<16xf32> to vector<16xf32>
    %get3A_558 = arith.constant 384 : index
    %get3A_559 = tpu.vector_load %arg16[%get3A_558] {strides = array<i32>} : memref<512xf32, #tpu.memory_space<vmem>>, vector<16xf32>,
    %get3A_560 = vector.shape_cast %get3A_559 : vector<16xf32> to vector<16xf32>
    %add3A_561 = arith.addf %get3A_557, %get3A_560 : vector<16xf32>
    %swap3A_562 = arith.constant 384 : index
    %swap3A_563 = tpu.vector_load %arg17[%swap3A_562] {strides = array<i32>} : memref<512xf32, #tpu.memory_space<vmem>>, vector<16xf32>,
    %swap3A_564 = vector.shape_cast %swap3A_563 : vector<16xf32> to vector<16xf32>
    %swap3A_565 = vector.shape_cast %add3A_561 : vector<16xf32> to vector<16xf32>
    tpu.vector_store %arg17[%swap3A_562], %swap3A_565 {strides = array<i32>} : memref<512xf32, #tpu.memory_space<vmem>>, vector<16xf32>,
    %get3A_566 = arith.constant 400 : index
    %get3A_567 = tpu.vector_load %arg15[%get3A_566] {strides = array<i32>} : memref<512xf32, #tpu.memory_space<vmem>>, vector<16xf32>,
    %get3A_568 = vector.shape_cast %get3A_567 : vector<16xf32> to vector<16xf32>
    %get3A_569 = arith.constant 400 : index
    %get3A_570 = tpu.vector_load %arg16[%get3A_569] {strides = array<i32>} : memref<512xf32, #tpu.memory_space<vmem>>, vector<16xf32>,
    %get3A_571 = vector.shape_cast %get3A_570 : vector<16xf32> to vector<16xf32>
    %add3A_572 = arith.addf %get3A_568, %get3A_571 : vector<16xf32>
    %swap3A_573 = arith.constant 400 : index
    %swap3A_574 = tpu.vector_load %arg17[%swap3A_573] {strides = array<i32>} : memref<512xf32, #tpu.memory_space<vmem>>, vector<16xf32>,
    %swap3A_575 = vector.shape_cast %swap3A_574 : vector<16xf32> to vector<16xf32>
    %swap3A_576 = vector.shape_cast %add3A_572 : vector<16xf32> to vector<16xf32>
    tpu.vector_store %arg17[%swap3A_573], %swap3A_576 {strides = array<i32>} : memref<512xf32, #tpu.memory_space<vmem>>, vector<16xf32>,
    %get3A_577 = arith.constant 416 : index
    %get3A_578 = tpu.vector_load %arg15[%get3A_577] {strides = array<i32>} : memref<512xf32, #tpu.memory_space<vmem>>, vector<16xf32>,
    %get3A_579 = vector.shape_cast %get3A_578 : vector<16xf32> to vector<16xf32>
    %get3A_580 = arith.constant 416 : index
    %get3A_581 = tpu.vector_load %arg16[%get3A_580] {strides = array<i32>} : memref<512xf32, #tpu.memory_space<vmem>>, vector<16xf32>,
    %get3A_582 = vector.shape_cast %get3A_581 : vector<16xf32> to vector<16xf32>
    %add3A_583 = arith.addf %get3A_579, %get3A_582 : vector<16xf32>
    %swap3A_584 = arith.constant 416 : index
    %swap3A_585 = tpu.vector_load %arg17[%swap3A_584] {strides = array<i32>} : memref<512xf32, #tpu.memory_space<vmem>>, vector<16xf32>,
    %swap3A_586 = vector.shape_cast %swap3A_585 : vector<16xf32> to vector<16xf32>
    %swap3A_587 = vector.shape_cast %add3A_583 : vector<16xf32> to vector<16xf32>
    tpu.vector_store %arg17[%swap3A_584], %swap3A_587 {strides = array<i32>} : memref<512xf32, #tpu.memory_space<vmem>>, vector<16xf32>,
    %get3A_588 = arith.constant 432 : index
    %get3A_589 = tpu.vector_load %arg15[%get3A_588] {strides = array<i32>} : memref<512xf32, #tpu.memory_space<vmem>>, vector<16xf32>,
    %get3A_590 = vector.shape_cast %get3A_589 : vector<16xf32> to vector<16xf32>
    %get3A_591 = arith.constant 432 : index
    %get3A_592 = tpu.vector_load %arg16[%get3A_591] {strides = array<i32>} : memref<512xf32, #tpu.memory_space<vmem>>, vector<16xf32>,
    %get3A_593 = vector.shape_cast %get3A_592 : vector<16xf32> to vector<16xf32>
    %add3A_594 = arith.addf %get3A_590, %get3A_593 : vector<16xf32>
    %swap3A_595 = arith.constant 432 : index
    %swap3A_596 = tpu.vector_load %arg17[%swap3A_595] {strides = array<i32>} : memref<512xf32, #tpu.memory_space<vmem>>, vector<16xf32>,
    %swap3A_597 = vector.shape_cast %swap3A_596 : vector<16xf32> to vector<16xf32>
    %swap3A_598 = vector.shape_cast %add3A_594 : vector<16xf32> to vector<16xf32>
    tpu.vector_store %arg17[%swap3A_595], %swap3A_598 {strides = array<i32>} : memref<512xf32, #tpu.memory_space<vmem>>, vector<16xf32>,
    %get3A_599 = arith.constant 448 : index
    %get3A_600 = tpu.vector_load %arg15[%get3A_599] {strides = array<i32>} : memref<512xf32, #tpu.memory_space<vmem>>, vector<16xf32>,
    %get3A_601 = vector.shape_cast %get3A_600 : vector<16xf32> to vector<16xf32>
    %get3A_602 = arith.constant 448 : index
    %get3A_603 = tpu.vector_load %arg16[%get3A_602] {strides = array<i32>} : memref<512xf32, #tpu.memory_space<vmem>>, vector<16xf32>,
    %get3A_604 = vector.shape_cast %get3A_603 : vector<16xf32> to vector<16xf32>
    %add3A_605 = arith.addf %get3A_601, %get3A_604 : vector<16xf32>
    %swap3A_606 = arith.constant 448 : index
    %swap3A_607 = tpu.vector_load %arg17[%swap3A_606] {strides = array<i32>} : memref<512xf32, #tpu.memory_space<vmem>>, vector<16xf32>,
    %swap3A_608 = vector.shape_cast %swap3A_607 : vector<16xf32> to vector<16xf32>
    %swap3A_609 = vector.shape_cast %add3A_605 : vector<16xf32> to vector<16xf32>
    tpu.vector_store %arg17[%swap3A_606], %swap3A_609 {strides = array<i32>} : memref<512xf32, #tpu.memory_space<vmem>>, vector<16xf32>,
    %get3A_610 = arith.constant 464 : index
    %get3A_611 = tpu.vector_load %arg15[%get3A_610] {strides = array<i32>} : memref<512xf32, #tpu.memory_space<vmem>>, vector<16xf32>,
    %get3A_612 = vector.shape_cast %get3A_611 : vector<16xf32> to vector<16xf32>
    %get3A_613 = arith.constant 464 : index
    %get3A_614 = tpu.vector_load %arg16[%get3A_613] {strides = array<i32>} : memref<512xf32, #tpu.memory_space<vmem>>, vector<16xf32>,
    %get3A_615 = vector.shape_cast %get3A_614 : vector<16xf32> to vector<16xf32>
    %add3A_616 = arith.addf %get3A_612, %get3A_615 : vector<16xf32>
    %swap3A_617 = arith.constant 464 : index
    %swap3A_618 = tpu.vector_load %arg17[%swap3A_617] {strides = array<i32>} : memref<512xf32, #tpu.memory_space<vmem>>, vector<16xf32>,
    %swap3A_619 = vector.shape_cast %swap3A_618 : vector<16xf32> to vector<16xf32>
    %swap3A_620 = vector.shape_cast %add3A_616 : vector<16xf32> to vector<16xf32>
    tpu.vector_store %arg17[%swap3A_617], %swap3A_620 {strides = array<i32>} : memref<512xf32, #tpu.memory_space<vmem>>, vector<16xf32>,
    %get3A_621 = arith.constant 480 : index
    %get3A_622 = tpu.vector_load %arg15[%get3A_621] {strides = array<i32>} : memref<512xf32, #tpu.memory_space<vmem>>, vector<16xf32>,
    %get3A_623 = vector.shape_cast %get3A_622 : vector<16xf32> to vector<16xf32>
    %get3A_624 = arith.constant 480 : index
    %get3A_625 = tpu.vector_load %arg16[%get3A_624] {strides = array<i32>} : memref<512xf32, #tpu.memory_space<vmem>>, vector<16xf32>,
    %get3A_626 = vector.shape_cast %get3A_625 : vector<16xf32> to vector<16xf32>
    %add3A_627 = arith.addf %get3A_623, %get3A_626 : vector<16xf32>
    %swap3A_628 = arith.constant 480 : index
    %swap3A_629 = tpu.vector_load %arg17[%swap3A_628] {strides = array<i32>} : memref<512xf32, #tpu.memory_space<vmem>>, vector<16xf32>,
    %swap3A_630 = vector.shape_cast %swap3A_629 : vector<16xf32> to vector<16xf32>
    %swap3A_631 = vector.shape_cast %add3A_627 : vector<16xf32> to vector<16xf32>
    tpu.vector_store %arg17[%swap3A_628], %swap3A_631 {strides = array<i32>} : memref<512xf32, #tpu.memory_space<vmem>>, vector<16xf32>,
    %get3A_632 = arith.constant 496 : index
    %get3A_633 = tpu.vector_load %arg15[%get3A_632] {strides = array<i32>} : memref<512xf32, #tpu.memory_space<vmem>>, vector<16xf32>,
    %get3A_634 = vector.shape_cast %get3A_633 : vector<16xf32> to vector<16xf32>
    %get3A_635 = arith.constant 496 : index
    %get3A_636 = tpu.vector_load %arg16[%get3A_635] {strides = array<i32>} : memref<512xf32, #tpu.memory_space<vmem>>, vector<16xf32>,
    %get3A_637 = vector.shape_cast %get3A_636 : vector<16xf32> to vector<16xf32>
    %add3A_638 = arith.addf %get3A_634, %get3A_637 : vector<16xf32>
    %swap3A_639 = arith.constant 496 : index
    %swap3A_640 = tpu.vector_load %arg17[%swap3A_639] {strides = array<i32>} : memref<512xf32, #tpu.memory_space<vmem>>, vector<16xf32>,
    %swap3A_641 = vector.shape_cast %swap3A_640 : vector<16xf32> to vector<16xf32>
    %swap3A_642 = vector.shape_cast %add3A_638 : vector<16xf32> to vector<16xf32>
    tpu.vector_store %arg17[%swap3A_639], %swap3A_642 {strides = array<i32>} : memref<512xf32, #tpu.memory_space<vmem>>, vector<16xf32>,
    "tpu.region"() ({
      %run_scoped3A = tpu.sem_alloc : memref<!tpu.dma_semaphore, #tpu.memory_space<semaphore_mem>>
      %dma_start3A_643 = arith.constant 0 : i32
      %dma_start3A_644 = tpu.memref_slice %arg8[%mul3A_2, %dma_start3A_643] : memref<16384x32xf32, #tpu.memory_space<hbm>> -> memref<512x32xf32, #tpu.memory_space<hbm>>
      %dma_start3A_645 = arith.constant 0 : i32
      %dma_start3A_646 = tpu.memref_slice %arg8[%mul3A_2, %dma_start3A_645] : memref<16384x32xf32, #tpu.memory_space<hbm>> -> memref<512x32xf32, #tpu.memory_space<hbm>>
      tpu.enqueue_dma source(%arg13 : memref<512x32xf32, #tpu.memory_space<vmem>>) target(%dma_start3A_646 : memref<512x32xf32, #tpu.memory_space<hbm>>) target_semaphore(%run_scoped3A : memref<!tpu.dma_semaphore, #tpu.memory_space<semaphore_mem>>)
      %dma_wait3A_647 = arith.constant 0 : i32
      %dma_wait3A_648 = tpu.memref_slice %arg8[%mul3A_2, %dma_wait3A_647] : memref<16384x32xf32, #tpu.memory_space<hbm>> -> memref<512x32xf32, #tpu.memory_space<hbm>>
      %dma_wait3A_649 = arith.constant 0 : i32
      %dma_wait3A_650 = tpu.memref_slice %arg8[%mul3A_2, %dma_wait3A_649] : memref<16384x32xf32, #tpu.memory_space<hbm>> -> memref<512x32xf32, #tpu.memory_space<hbm>>
      tpu.wait_dma2 semaphore(%run_scoped3A : memref<!tpu.dma_semaphore, #tpu.memory_space<semaphore_mem>>) src(%arg13 : memref<512x32xf32, #tpu.memory_space<vmem>>) dst(%dma_wait3A_650 : memref<512x32xf32, #tpu.memory_space<hbm>>)
      tpu.yield
    }) : () -> ()
    "tpu.region"() ({
      %run_scoped3A = tpu.sem_alloc : memref<!tpu.dma_semaphore, #tpu.memory_space<semaphore_mem>>
      %dma_start3A_643 = arith.constant 0 : i32
      %dma_start3A_644 = tpu.memref_slice %arg9[%mul3A_2, %dma_start3A_643] : memref<16384x32xf32, #tpu.memory_space<hbm>> -> memref<512x32xf32, #tpu.memory_space<hbm>>
      %dma_start3A_645 = arith.constant 0 : i32
      %dma_start3A_646 = tpu.memref_slice %arg9[%mul3A_2, %dma_start3A_645] : memref<16384x32xf32, #tpu.memory_space<hbm>> -> memref<512x32xf32, #tpu.memory_space<hbm>>
      tpu.enqueue_dma source(%arg14 : memref<512x32xf32, #tpu.memory_space<vmem>>) target(%dma_start3A_646 : memref<512x32xf32, #tpu.memory_space<hbm>>) target_semaphore(%run_scoped3A : memref<!tpu.dma_semaphore, #tpu.memory_space<semaphore_mem>>)
      %dma_wait3A_647 = arith.constant 0 : i32
      %dma_wait3A_648 = tpu.memref_slice %arg9[%mul3A_2, %dma_wait3A_647] : memref<16384x32xf32, #tpu.memory_space<hbm>> -> memref<512x32xf32, #tpu.memory_space<hbm>>
      %dma_wait3A_649 = arith.constant 0 : i32
      %dma_wait3A_650 = tpu.memref_slice %arg9[%mul3A_2, %dma_wait3A_649] : memref<16384x32xf32, #tpu.memory_space<hbm>> -> memref<512x32xf32, #tpu.memory_space<hbm>>
      tpu.wait_dma2 semaphore(%run_scoped3A : memref<!tpu.dma_semaphore, #tpu.memory_space<semaphore_mem>>) src(%arg14 : memref<512x32xf32, #tpu.memory_space<vmem>>) dst(%dma_wait3A_650 : memref<512x32xf32, #tpu.memory_space<hbm>>)
      tpu.yield
    }) : () -> ()
    "tpu.region"() ({
      %run_scoped3A = tpu.sem_alloc : memref<!tpu.dma_semaphore, #tpu.memory_space<semaphore_mem>>
      %dma_start3A_643 = tpu.memref_slice %arg10[%mul3A_2] : memref<16384xf32, #tpu.memory_space<hbm>> -> memref<512xf32, #tpu.memory_space<hbm>>
      %dma_start3A_644 = tpu.memref_slice %arg10[%mul3A_2] : memref<16384xf32, #tpu.memory_space<hbm>> -> memref<512xf32, #tpu.memory_space<hbm>>
      tpu.enqueue_dma source(%arg17 : memref<512xf32, #tpu.memory_space<vmem>>) target(%dma_start3A_644 : memref<512xf32, #tpu.memory_space<hbm>>) target_semaphore(%run_scoped3A : memref<!tpu.dma_semaphore, #tpu.memory_space<semaphore_mem>>)
      %dma_wait3A_645 = tpu.memref_slice %arg10[%mul3A_2] : memref<16384xf32, #tpu.memory_space<hbm>> -> memref<512xf32, #tpu.memory_space<hbm>>
      %dma_wait3A_646 = tpu.memref_slice %arg10[%mul3A_2] : memref<16384xf32, #tpu.memory_space<hbm>> -> memref<512xf32, #tpu.memory_space<hbm>>
      tpu.wait_dma2 semaphore(%run_scoped3A : memref<!tpu.dma_semaphore, #tpu.memory_space<semaphore_mem>>) src(%arg17 : memref<512xf32, #tpu.memory_space<vmem>>) dst(%dma_wait3A_646 : memref<512xf32, #tpu.memory_space<hbm>>)
      tpu.yield
    }) : () -> ()
    return
  }
}

module attributes {stable_mosaic.version = 14 : i64} {
  func.func @_dense_body(%arg0: i32, %arg1: memref<2048x32xf32, #tpu.memory_space<vmem>>, %arg2: memref<2048x32xf32, #tpu.memory_space<vmem>>, %arg3: memref<2048xf32, #tpu.memory_space<vmem>>, %arg4: memref<32x32xf32, #tpu.memory_space<vmem>>, %arg5: memref<32x32xf32, #tpu.memory_space<vmem>>, %arg6: memref<32x1xf32, #tpu.memory_space<vmem>>, %arg7: memref<32x32xf32, #tpu.memory_space<vmem>>, %arg8: memref<32x1xf32, #tpu.memory_space<vmem>>, %arg9: memref<1x32xf32, #tpu.memory_space<vmem>>, %arg10: memref<1xf32, #tpu.memory_space<smem>>, %arg11: memref<2048xf32, #tpu.memory_space<vmem>>) attributes {dimension_semantics = [#tpu.dimension_semantics<arbitrary>], iteration_bounds = array<i64: 8>, scalar_prefetch = 0 : i64, scratch_operands = 0 : i64, tpu.core_type = #tpu.core_type<tc>, window_params = [{transform_indices = @transform_0, window_bounds = array<i64: 2048, 32>}, {transform_indices = @transform_1, window_bounds = array<i64: 2048, 32>}, {transform_indices = @transform_2, window_bounds = array<i64: 2048>}, {pipeline_mode = #tpu.pipeline_mode<synchronous>, transform_indices = @transform_3, window_bounds = array<i64: 32, 32>}, {pipeline_mode = #tpu.pipeline_mode<synchronous>, transform_indices = @transform_4, window_bounds = array<i64: 32, 32>}, {pipeline_mode = #tpu.pipeline_mode<synchronous>, transform_indices = @transform_5, window_bounds = array<i64: 32, 1>}, {pipeline_mode = #tpu.pipeline_mode<synchronous>, transform_indices = @transform_6, window_bounds = array<i64: 32, 32>}, {pipeline_mode = #tpu.pipeline_mode<synchronous>, transform_indices = @transform_7, window_bounds = array<i64: 32, 1>}, {pipeline_mode = #tpu.pipeline_mode<synchronous>, transform_indices = @transform_8, window_bounds = array<i64: 1, 32>}, {transform_indices = @transform_9, window_bounds = array<i64: 1>}, {transform_indices = @transform_10, window_bounds = array<i64: 2048>}]} {
    %get3A = arith.constant 0 : index
    %get3A_0 = arith.constant 0 : index
    %get3A_1 = vector.load %arg1[%get3A, %get3A_0] : memref<2048x32xf32, #tpu.memory_space<vmem>>, vector<2048x32xf32>
    %get3A_2 = arith.constant 0 : index
    %get3A_3 = arith.constant 0 : index
    %get3A_4 = vector.load %arg2[%get3A_2, %get3A_3] : memref<2048x32xf32, #tpu.memory_space<vmem>>, vector<2048x32xf32>
    %get3A_5 = arith.constant 0 : index
    %get3A_6 = arith.constant 0 : index
    %get3A_7 = vector.load %arg4[%get3A_5, %get3A_6] : memref<32x32xf32, #tpu.memory_space<vmem>>, vector<32x32xf32>
    %dot_general3A = arith.constant dense<0.000000e+00> : vector<32x2048xf32>
    %dot_general3A_8 = tpu.matmul %get3A_7, %get3A_1, %dot_general3A {dimension_numbers = #tpu.dot_dimension_numbers<[1], [1], [0], [0], [0, 0, 1, 0], [], []>, transpose_lhs_hint = false} : vector<32x32xf32>, vector<2048x32xf32>, vector<32x2048xf32> -> vector<32x2048xf32>
    %get3A_9 = arith.constant 0 : index
    %get3A_10 = arith.constant 0 : index
    %get3A_11 = vector.load %arg5[%get3A_9, %get3A_10] : memref<32x32xf32, #tpu.memory_space<vmem>>, vector<32x32xf32>
    %dot_general3A_12 = arith.constant dense<0.000000e+00> : vector<32x2048xf32>
    %dot_general3A_13 = tpu.matmul %get3A_11, %get3A_4, %dot_general3A_12 {dimension_numbers = #tpu.dot_dimension_numbers<[1], [1], [0], [0], [0, 0, 1, 0], [], []>, transpose_lhs_hint = false} : vector<32x32xf32>, vector<2048x32xf32>, vector<32x2048xf32> -> vector<32x2048xf32>
    %add3A = arith.addf %dot_general3A_8, %dot_general3A_13 : vector<32x2048xf32>
    %get3A_14 = arith.constant 0 : index
    %get3A_15 = arith.constant 0 : index
    %get3A_16 = vector.load %arg6[%get3A_14, %get3A_15] : memref<32x1xf32, #tpu.memory_space<vmem>>, vector<32x1xf32>
    %add3A_17 = vector.broadcast %get3A_16 : vector<32x1xf32> to vector<32x2048xf32>
    %add3A_18 = arith.addf %add3A, %add3A_17 : vector<32x2048xf32>
    %max3A = arith.constant 0.000000e+00 : f32
    %max3A_19 = vector.broadcast %max3A : f32 to vector<32x2048xf32>
    %max3A_20 = arith.maximumf %add3A_18, %max3A_19 : vector<32x2048xf32>
    %get3A_21 = arith.constant 0 : index
    %get3A_22 = arith.constant 0 : index
    %get3A_23 = vector.load %arg7[%get3A_21, %get3A_22] : memref<32x32xf32, #tpu.memory_space<vmem>>, vector<32x32xf32>
    %dot_general3A_24 = arith.constant dense<0.000000e+00> : vector<32x2048xf32>
    %dot_general3A_25 = tpu.matmul %get3A_23, %max3A_20, %dot_general3A_24 {dimension_numbers = #tpu.dot_dimension_numbers<[1], [0], [0], [1], [0, 0, 1, 1], [], []>, transpose_lhs_hint = false} : vector<32x32xf32>, vector<32x2048xf32>, vector<32x2048xf32> -> vector<32x2048xf32>
    %get3A_26 = arith.constant 0 : index
    %get3A_27 = arith.constant 0 : index
    %get3A_28 = vector.load %arg8[%get3A_26, %get3A_27] : memref<32x1xf32, #tpu.memory_space<vmem>>, vector<32x1xf32>
    %add3A_29 = vector.broadcast %get3A_28 : vector<32x1xf32> to vector<32x2048xf32>
    %add3A_30 = arith.addf %dot_general3A_25, %add3A_29 : vector<32x2048xf32>
    %max3A_31 = arith.constant 0.000000e+00 : f32
    %max3A_32 = vector.broadcast %max3A_31 : f32 to vector<32x2048xf32>
    %max3A_33 = arith.maximumf %add3A_30, %max3A_32 : vector<32x2048xf32>
    %get3A_34 = arith.constant 0 : index
    %get3A_35 = arith.constant 0 : index
    %get3A_36 = vector.load %arg9[%get3A_34, %get3A_35] : memref<1x32xf32, #tpu.memory_space<vmem>>, vector<1x32xf32>
    %dot_general3A_37 = arith.constant dense<0.000000e+00> : vector<1x2048xf32>
    %dot_general3A_38 = tpu.matmul %get3A_36, %max3A_33, %dot_general3A_37 {dimension_numbers = #tpu.dot_dimension_numbers<[1], [0], [0], [1], [0, 0, 1, 1], [], []>, transpose_lhs_hint = false} : vector<1x32xf32>, vector<32x2048xf32>, vector<1x2048xf32> -> vector<1x2048xf32>
    %broadcast_in_dim3A = arith.constant 1.000000e+00 : f32
    %broadcast_in_dim3A_39 = vector.broadcast %broadcast_in_dim3A : f32 to vector<1x32xf32>
    %mul3A = arith.mulf %get3A_1, %get3A_4 : vector<2048x32xf32>
    %dot_general3A_40 = arith.constant dense<0.000000e+00> : vector<1x2048xf32>
    %dot_general3A_41 = tpu.matmul %broadcast_in_dim3A_39, %mul3A, %dot_general3A_40 {dimension_numbers = #tpu.dot_dimension_numbers<[1], [1], [0], [0], [0, 0, 1, 0], [], []>, transpose_lhs_hint = false} : vector<1x32xf32>, vector<2048x32xf32>, vector<1x2048xf32> -> vector<1x2048xf32>
    %get3A_42 = arith.constant 0 : index
    %get3A_43 = vector.load %arg3[%get3A_42] : memref<2048xf32, #tpu.memory_space<vmem>>, vector<2048xf32>
    %broadcast_in_dim3A_44 = vector.shape_cast %get3A_43 : vector<2048xf32> to vector<1x2048xf32>
    %add3A_45 = arith.addf %broadcast_in_dim3A_44, %dot_general3A_41 : vector<1x2048xf32>
    %add3A_46 = arith.addf %add3A_45, %dot_general3A_38 : vector<1x2048xf32>
    %get3A_47 = arith.constant 0 : index
    %get3A_48 = memref.load %arg10[%get3A_47] : memref<1xf32, #tpu.memory_space<smem>>
    %add3A_49 = vector.broadcast %get3A_48 : f32 to vector<1x2048xf32>
    %add3A_50 = arith.addf %add3A_46, %add3A_49 : vector<1x2048xf32>
    %neg3A = arith.constant 0.000000e+00 : f32
    %neg3A_51 = vector.broadcast %neg3A : f32 to vector<1x2048xf32>
    %neg3A_52 = arith.subf %neg3A_51, %add3A_50 : vector<1x2048xf32>
    %exp3A = math.exp %neg3A_52 : vector<1x2048xf32>
    %add3A_53 = arith.constant 1.000000e+00 : f32
    %add3A_54 = vector.broadcast %add3A_53 : f32 to vector<1x2048xf32>
    %add3A_55 = arith.addf %add3A_54, %exp3A : vector<1x2048xf32>
    %div3A = arith.constant 1.000000e+00 : f32
    %div3A_56 = vector.broadcast %div3A : f32 to vector<1x2048xf32>
    %div3A_57 = arith.divf %div3A_56, %add3A_55 : vector<1x2048xf32>
    %squeeze3A = vector.shape_cast %div3A_57 : vector<1x2048xf32> to vector<2048xf32>
    %swap3A = arith.constant 0 : index
    %swap3A_58 = vector.load %arg11[%swap3A] : memref<2048xf32, #tpu.memory_space<vmem>>, vector<2048xf32>
    tpu.vector_store %arg11[%swap3A], %squeeze3A {strides = array<i32>} : memref<2048xf32, #tpu.memory_space<vmem>>, vector<2048xf32>,
    return
  }
  func.func @transform_0(%arg0: i32) -> (i32, i32) {
    %c0_i32 = arith.constant 0 : i32
    %c0_i32_0 = arith.constant 0 : i32
    return %arg0, %c0_i32 : i32, i32
  }
  func.func @transform_1(%arg0: i32) -> (i32, i32) {
    %c0_i32 = arith.constant 0 : i32
    %c0_i32_0 = arith.constant 0 : i32
    return %arg0, %c0_i32 : i32, i32
  }
  func.func @transform_2(%arg0: i32) -> i32 {
    %c0_i32 = arith.constant 0 : i32
    return %arg0 : i32
  }
  func.func @transform_3(%arg0: i32) -> (i32, i32) {
    %c0_i32 = arith.constant 0 : i32
    %c0_i32_0 = arith.constant 0 : i32
    %c0_i32_1 = arith.constant 0 : i32
    return %c0_i32, %c0_i32_0 : i32, i32
  }
  func.func @transform_4(%arg0: i32) -> (i32, i32) {
    %c0_i32 = arith.constant 0 : i32
    %c0_i32_0 = arith.constant 0 : i32
    %c0_i32_1 = arith.constant 0 : i32
    return %c0_i32, %c0_i32_0 : i32, i32
  }
  func.func @transform_5(%arg0: i32) -> (i32, i32) {
    %c0_i32 = arith.constant 0 : i32
    %c0_i32_0 = arith.constant 0 : i32
    %c0_i32_1 = arith.constant 0 : i32
    return %c0_i32, %c0_i32_0 : i32, i32
  }
  func.func @transform_6(%arg0: i32) -> (i32, i32) {
    %c0_i32 = arith.constant 0 : i32
    %c0_i32_0 = arith.constant 0 : i32
    %c0_i32_1 = arith.constant 0 : i32
    return %c0_i32, %c0_i32_0 : i32, i32
  }
  func.func @transform_7(%arg0: i32) -> (i32, i32) {
    %c0_i32 = arith.constant 0 : i32
    %c0_i32_0 = arith.constant 0 : i32
    %c0_i32_1 = arith.constant 0 : i32
    return %c0_i32, %c0_i32_0 : i32, i32
  }
  func.func @transform_8(%arg0: i32) -> (i32, i32) {
    %c0_i32 = arith.constant 0 : i32
    %c0_i32_0 = arith.constant 0 : i32
    %c0_i32_1 = arith.constant 0 : i32
    return %c0_i32, %c0_i32_0 : i32, i32
  }
  func.func @transform_9(%arg0: i32) -> i32 {
    %c0_i32 = arith.constant 0 : i32
    %c0_i32_0 = arith.constant 0 : i32
    return %c0_i32 : i32
  }
  func.func @transform_10(%arg0: i32) -> i32 {
    %c0_i32 = arith.constant 0 : i32
    return %arg0 : i32
  }
}

</mosaic_0001>

<sc_bundles>
// kernel: kernel.4.cloned.1.call-start
scs
__scs_entry_jumppad:
0x0: {  	(pc) =	sbr.rel $0x88, $3  }
0x1: {  	(tag) =	ssettag $0x0;
	lr =	simm.s32 $0x1  }
0x2: {  	[smem:$0x3F90] =	sst lr;
	_ =	strace $0xD0000000  }
0x3: {  	_ = 	snop  }
0x4: {  	_ = 	snop  }
0x5: {  	_ = 	snop  }
0x6: {  	_ = 	snop  }
0x7: {  	_ = 	snop  }
__scs_overlays_trampoline_lowered:
0x8: {  	[smem:$0x3F9F] =	sst s0  }
0x9: {  	[smem:$0x3FA0] =	sst s1  }
0xa: {  	[smem:$0x3FA1] =	sst s2  }
0xb: {  	[smem:$0x3FA2] =	sst s3  }
0xc: {  	[smem:$0x3FA3] =	sst s4  }
0xd: {  	[smem:$0x3FA4] =	sst s5  }
0xe: {  	[smem:$0x3FA5] =	sst s6  }
0xf: {  	[smem:$0x3FA6] =	sst s7  }
0x10: {  	[smem:$0x3FA7] =	sst s8  }
0x11: {  	[smem:$0x3FA8] =	sst s9;
	s0 =	simm.s32 @!p0 $0x0  }
0x12: {  	s1 =	sld [smem:$0x3F8E];
	s0 =	simm.s32 @p0 $0x1  }
0x13: {  	[smem:$0x3FA9] =	sst s0;
	s0 =	simm.s32 @!p1 $0x0  }
0x14: {  	s2 =	sld [smem:$0x3F8D];
	s0 =	simm.s32 @p1 $0x1  }
0x15: {  	[smem:$0x3FAA] =	sst s0;
	s0 =	simm.s32 @!p2 $0x0  }
0x16: {  	s3 =	sld [smem:$0x3FDB];
	s0 =	simm.s32 @p2 $0x1  }
0x17: {  	s4 =	simm.s32 $0x1BF5;
	[smem:$0x3FAC] =	sst s0  }
0x18: {  	s0 =	sld [smem:$0x3F8F];
	_ =	swait.ge [sflag:s4], $0x0  }
0x19: {  	s7 =	sld [smem:$0x3F90]  }
0x1a: {  	s8 =	sadd.s32 $0xFFFFE003, lr  }
0x1b: {  	s9 =	sadd.s32 $0xFFFFFEF7, lr;
	s5 =	simm.s32 $0xFFFFFFFF;
	p2 =	slt.u32 s8, $0xFFFFF086  }
0x1c: {  	p1 =	slt.u32 s9, $0xF7A;
	s5 =	simm.s32 @!p2 $0x0  }
0x1d: {  	s5 =	simm.s32 @p1 $0x1;
	p0 =	seq.s32 s7, s2  }
0x1e: {  	s7 =	smul.u32 @!p0 $0xF7A, s2;
	p2 =	seq.s32 @!p0 s5, $0x0  }
0x1f: {  	s9 =	smul.u32 $0xF7A, s1;
	s8 =	simm.s32 @!p0 $0x1BF5;
	p2 =	por !p2, p0  }
0x20: {  	[sflag:s8] =	ssyncset.s32 @!p0 $0xFFFFF086;
	s6 =	sadd.s32 @!p0 s3, s7;
	s7 =	simm.s32 @!p0 $0x108  }
0x21: {  	s3 =	sadd.s32 s3, s9;
	s6 =	sadd.s32 @!p0 $0x88, s6;
	s7 =	simm.s32 @p2 $0x1082  }
0x22: {  	[simem:s7], [sflag:s8] =	dma.local @!p0 [hbm:s6], $0xF7A  }
0x23: {  	s9 =	sor.u32 $0xD0000000, s2;
	s6 =	simm.s32 $0x108;
	_ =	swait.ge @!p0 [sflag:s8], $0x0  }
0x24: {  	s3 =	sadd.s32 $0x88, s3;
	s6 =	simm.s32 @!p1 $0x1082;
	[sflag:s4] =	ssyncset.s32 $0xFFFFF086  }
0x25: {  	[simem:s6], [sflag:s4] =	dma.local [hbm:s3], $0xF7A  }
0x26: {  	[smem:$0x3F90] =	sst s1;
	(tag) =	ssettag s2;
	_ =	strace s9  }
0x27: {  	s1 =	sld [smem:$0x3FA0]  }
0x28: {  	s2 =	sld [smem:$0x3FA1]  }
0x29: {  	s4 =	sld [smem:$0x3FA3]  }
0x2a: {  	p0 =	seq.s32 s5, $0x0;
	s5 =	sld [smem:$0x3FA4]  }
0x2b: {  	s6 =	sld [smem:$0x3FA5]  }
0x2c: {  	s7 =	sld [smem:$0x3FA6]  }
0x2d: {  	s3 =	simm.s32 $0x108;
	s8 =	sld [smem:$0x3FA7]  }
0x2e: {  	s3 =	simm.s32 @!p0 $0x1082;
	s9 =	sld [smem:$0x3FA8]  }
0x2f: {  	lr =	sadd.s32 s0, s3;
	s0 =	sld [smem:$0x3F9F]  }
0x30: {  	s3 =	sld [smem:$0x3FA2]  }
0x31: {  	[smem:$0x3FAB] =	sst s10  }
0x32: {  	s10 =	sld [smem:$0x3FA9];
	_ =	sdelay $0x3  }
0x33: {  	p0 =	seq.s32 s10, $0x1;
	s10 =	sld [smem:$0x3FAB];
	_ =	sdelay $0x3  }
0x34: {  	[smem:$0x3FAB] =	sst s10  }
0x35: {  	s10 =	sld [smem:$0x3FAA];
	_ =	sdelay $0x3  }
0x36: {  	p1 =	seq.s32 s10, $0x1;
	s10 =	sld [smem:$0x3FAB];
	_ =	sdelay $0x3  }
0x37: {  	[smem:$0x3FAB] =	sst s10  }
0x38: {  	s10 =	sld [smem:$0x3FAC]  }
0x39: {  	_ = 	snop;
	(pc) =	sbr.ind lr, $3  }
0x3a: {  	_ = 	snop  }
0x3b: {  	_ = 	snop  }
0x3c: {  	p2 =	seq.s32 s10, $0x1;
	s10 =	sld [smem:$0x3FAB]  }
0x3d: {  	_ =	shalt  }
0x3e: {  	_ =	shalt  }
0x3f: {  	_ =	shalt  }
0x40: {  	_ =	shalt  }
0x41: {  	_ =	shalt  }
0x42: {  	_ =	shalt  }
0x43: {  	_ =	shalt  }
0x44: {  	_ =	shalt  }
0x45: {  	_ =	shalt  }
0x46: {  	_ =	shalt  }
0x47: {  	_ =	shalt  }
0x48: {  	_ =	shalt  }
0x49: {  	_ =	shalt  }
0x4a: {  	_ =	shalt  }
0x4b: {  	_ =	shalt  }
0x4c: {  	_ =	shalt  }
0x4d: {  	_ =	shalt  }
0x4e: {  	_ =	shalt  }
0x4f: {  	_ =	shalt  }
0x50: {  	_ =	shalt  }
0x51: {  	_ =	shalt  }
0x52: {  	_ =	shalt  }
0x53: {  	_ =	shalt  }
0x54: {  	_ =	shalt  }
0x55: {  	_ =	shalt  }
0x56: {  	_ =	shalt  }
0x57: {  	_ =	shalt  }
0x58: {  	_ =	shalt  }
0x59: {  	_ =	shalt  }
0x5a: {  	_ =	shalt  }
0x5b: {  	_ =	shalt  }
0x5c: {  	_ =	shalt  }
0x5d: {  	_ =	shalt  }
0x5e: {  	_ =	shalt  }
0x5f: {  	_ =	shalt  }
0x60: {  	_ =	shalt  }
0x61: {  	_ =	shalt  }
0x62: {  	_ =	shalt  }
0x63: {  	_ =	shalt  }
0x64: {  	_ =	shalt  }
0x65: {  	_ =	shalt  }
0x66: {  	_ =	shalt  }
0x67: {  	_ =	shalt  }
0x68: {  	_ =	shalt  }
0x69: {  	_ =	shalt  }
0x6a: {  	_ =	shalt  }
0x6b: {  	_ =	shalt  }
0x6c: {  	_ =	shalt  }
0x6d: {  	_ =	shalt  }
0x6e: {  	_ =	shalt  }
0x6f: {  	_ =	shalt  }
0x70: {  	_ =	shalt  }
0x71: {  	_ =	shalt  }
0x72: {  	_ =	shalt  }
0x73: {  	_ =	shalt  }
0x74: {  	_ =	shalt  }
0x75: {  	_ =	shalt  }
0x76: {  	_ =	shalt  }
0x77: {  	_ =	shalt  }
0x78: {  	_ =	shalt  }
0x79: {  	_ =	shalt  }
0x7a: {  	_ =	shalt  }
0x7b: {  	_ =	shalt  }
0x7c: {  	_ =	shalt  }
0x7d: {  	_ =	shalt  }
0x7e: {  	_ =	shalt  }
0x7f: {  	_ =	shalt  }
0x80: {  	_ =	shalt  }
0x81: {  	_ =	shalt  }
0x82: {  	_ =	shalt  }
0x83: {  	_ =	shalt  }
0x84: {  	_ =	shalt  }
0x85: {  	_ =	shalt  }
0x86: {  	_ =	shalt  }
0x87: {  	_ =	shalt  }
.Lfunc_end0:
.L_simem_size_0:
called_computation_lowered:
.L_overlay_start_0:
0x88: {  	s2 =	sld [smem:$0x3FD9]  }
0x89: {  	s3 =	sld [smem:$0x3FFE];
	_ =	sdelay $0x1  }
0x8a: {  	s1 =	srdreg.scid  }
0x8b: {  	s0 =	sand.u32 $0x1, s1  }
0x8c: {  	s17 =	sshll.u32 s0, $0xA;
	s2 =	sadd.s32 s3, s2  }
0x8d: {  	s2 =	sadd.s32 s2, s17  }
0x8e: {  	[smem:$0x3FB7] =	sst s2  }
0x8f: {  	_ = 	snop  }
0x90: {  	s2 =	sld [smem:$0x3FC9]  }
0x91: {  	s18 =	sld [smem:$0x3FC8]  }
0x92: {  	s4 =	sld [smem:$0x3FD0];
	(tm) =	ssettm $0x1  }
0x93: {  	s5 =	sld [smem:$0x3FFB];
	_ =	sdelay $0x3  }
0x94: {  	_ =	strace s5  }
0x95: {  	s5 =	sld [smem:$0x3FFC];
	_ =	sdelay $0x3  }
0x96: {  	_ =	strace s5  }
0x97: {  	s5 =	sld [smem:$0x3FFD];
	_ =	sdelay $0x3  }
0x98: {  	_ =	strace s5  }
0x99: {  	_ =	strace $0x8FFFFFFF  }
0x9a: {  	s19 =	sld [smem:$0x3FDB];
	_ =	sdelay $0x1  }
0x9b: {  	s6 =	simm.s32 $_scs_section_size  }
0x9c: {  	s7 =	simm.s32 $_size__tile_overlayer_lowered;
	s8 =	simm.s32 $_tile_overlayer_lowered  }
0x9d: {  	s22 =	simm.s32 $0x1BFF;
	s21 =	sshll.u32 s8, $0x1;
	s5 =	sadd.s32 s6, s19  }
0x9e: {  	s9 =	simm.s32 $0x0;
	s20 =	sshll.u32 s7, $0x1;
	s7 =	sadd.s32 s21, s5  }
0x9f: {  	[timem:s9], [sflag:s22] =	dma.local [hbm:s7], s20  }
0xa0: {  	_ =	swait.ge [sflag:s22], s20  }
0xa1: {  	s6 =	ssub.s32 $0x0, s20;
	[sflag:s22] =	ssyncset.done $0x0  }
0xa2: {  	[sflag:s22] =	ssyncadd.s32 s6;
	_ =	sdelay $0x1  }
0xa3: {  	s23 =	simm.s32 $0x1B8B  }
0xa4: {  	_ =	swait.ge [sflag:s23], $0x1  }
0xa5: {  	[sflag:s23] =	ssyncset.done $0x0  }
0xa6: {  	s25 =	simm.s32 $0x1B8E;
	s24 =	sld [smem:$0x3FFE];
	[sflag:s23] =	ssyncadd.s32 $0xFFFFFFFF  }
0xa7: {  	s26 =	simm.s32 $execute0_lowered;
	[smem:$0x3FD2] =	sst s25  }
0xa8: {  	s7 =	sshll.u32 s26, $0x1;
	_ =	strace $0x80000046;
	[dreg:$0x1] =	wrdreg $0xFFFFFFFF  }
0xa9: {  	s28 =	simm.s32 $_size_execute0_lowered;
	s5 =	sadd.s32 s5, s7;
	[dreg:$0x0] =	wrdreg $0x0  }
0xaa: {  	s7 =	sshll.u32 s28, $0x1;
	[dreg:$0x2] =	wrdreg s5  }
0xab: {  	[dreg:$0x3] =	wrdreg s7  }
0xac: {  	[dreg:$0x4] =	wrdreg $0xC0  }
0xad: {  	_ =	task [dreg:s9], $0x5FFFF  }
0xae: {  	[dreg:$0x1] =	wrdreg $0xFFFFFFFF  }
0xaf: {  	[dreg:$0x0] =	wrdreg $0x60  }
0xb0: {  	[dreg:$0x2] =	wrdreg s2  }
0xb1: {  	[dreg:$0x3] =	wrdreg s18  }
0xb2: {  	[dreg:$0x4] =	wrdreg s24  }
0xb3: {  	[dreg:$0x5] =	wrdreg s4  }
0xb4: {  	[dreg:$0x6] =	wrdreg $0x9  }
0xb5: {  	_ =	task.clear_ibuf [dreg:s9], $0x7FFFF;
	_ =	strace $0x90000046  }
0xb6: {  	s29 =	simm.s32 $0x9;
	_ =	strace $0x80000048  }
0xb7: {  	_ =	swait.ge [sflag:s29], $0x1  }
0xb8: {  	[sflag:s29] =	ssyncadd.s32 $0xFFFFFFFF  }
0xb9: {  	_ =	strace $0x90000048  }
0xba: {  	_ =	sfence  }
0xbb: {  	s30 =	sld [smem:$0x0];
	_ =	sdelay $0x2  }
0xbc: {  	s31 =	sshll.u32 s1, $0xD;
	s1 =	sshrl.u32 s1, $0x2  }
0xbd: {  	s3 =	sand.u32 $0x4000, s31;
	s1 =	sadd.s32 s1, s30  }
0xbe: {  	s0 =	sor.u32 s3, s0;
	s1 =	sshll.u32 s1, $0x11  }
0xbf: {  	s0 =	sor.u32 s1, s0  }
0xc0: {  	s0 =	sadd.s32 $0x8F2B, s0  }
0xc1: {  	[sflag:s0] =	ssyncadd.remote.s32 $0x1  }
0xc2: {  	_ =	sfence.sel $0xFFFF  }
0xc3: {  	[dreg:$0x0] =	wrdreg $0xFFFFFFFF;
	(pc) =	sbr.abs _section_cstart, $3  }
0xc4: {  	[dreg:$0x1] =	wrdreg $0xFFFFFFFF  }
0xc5: {  	_ =	task.clear_ibuf [dreg:s9], $0x2FFFF;
	_ =	strace $0x9FFFFFFF  }
0xc6: {  	(tm) =	ssettm $0x7FFFFFFF  }
0xc7: {  	_ =	shalt  }
tec
execute0_lowered:
.L_overlay_start_1:
0x0: {  	(tag) =	ssettag $0x1  }
0x1: {  	s0 =	rddreg [dreg:$0x0]  }
0x2: {  	s7 =	rddreg [dreg:$0x1]  }
0x3: {  	s8 =	rddreg [dreg:$0x2]  }
0x4: {  	s9 =	rddreg [dreg:$0x3];
	s2 =	simm.s32 $0x0;
	s3 =	srdreg.scid  }
0x5: {  	s1 =	stileid.u32;
	s25 =	simm.s32 $0x8400;
	s26 =	simm.s32 $0x8600  }
0x6: {  	s14 =	simm.s32 $0x280;
	s15 =	simm.s32 $0x5400;
	s16 =	simm.s32 $0x8480  }
0x7: {  	s17 =	simm.s32 $0x8680;
	s18 =	simm.s32 $0x100;
	s19 =	simm.s32 $0x2400  }
0x8: {  	s28 =	simm.s32 $0x7400;
	s29 =	simm.s32 $0x8580;
	s30 =	simm.s32 $0x8780  }
0x9: {  	s31 =	simm.s32 $0x1;
	[smem:$0x7FF] =	sst s2;
	s10 =	sand.u32 $0x1, s3  }
0xa: {  	s4 =	sshll.u32 s1, $0x1;
	s3 =	sadd.s32 $0xF44200, s8;
	s5 =	sadd.s32 $0x1E00, s8  }
0xb: {  	s6 =	sadd.s32 $0x20800, s8;
	_ =	strace $0x80000047;
	s11 =	sor.u32 s10, s4  }
0xc: {  	s4 =	sadd.s32 $0x1314C00, s8;
	s21 =	ssub.s32 $0x2, s10;
	[dreg:$0xa] =	wrdreg s25  }
0xd: {  	[dreg:$0xb] =	wrdreg s26;
	s25 =	simm.s32 $0x3400;
	s26 =	simm.s32 $0x380  }
0xe: {  	s12 =	sshll.u32 s11, $0x6;
	s11 =	sshll.u32 s11, $0xB;
	s10 =	sshrl.u32 s21, $0x1  }
0xf: {  	s0 =	sadd.s32 s0, s12;
	s8 =	sadd.s32 s11, s8;
	s20 =	sadd.s32 s7, s12  }
0x10: {  	s7 =	ssub.s32 s21, s10;
	s24 =	sadd.s32 s9, s12;
	s9 =	simm.s32 $0x200  }
0x11: {  	s10 =	simm.s32 $0x80;
	s11 =	simm.s32 $0x400;
	[dreg:$0x5] =	wrdreg s0  }
0x12: {  	s12 =	simm.s32 $0x4400;
	s21 =	simm.s32 $0x6400;
	[dreg:$0x6] =	wrdreg s20  }
0x13: {  	s22 =	sadd.s32 $0x3F200, s8;
	s23 =	sadd.s32 $0x4F200, s8;
	[dreg:$0x9] =	wrdreg s24  }
0x14: {  	s7 =	smax.u32 s7, $0x1;
	s8 =	simm.s32 $0x2;
	s20 =	simm.s32 $0x300  }
0x15: {  	s24 =	simm.s32 $0x180;
	s0 =	simm.s32 $0x8800;
	[dreg:$0x7] =	wrdreg s22  }
0x16: {  	[dreg:$0x8] =	wrdreg s23;
	s22 =	simm.s32 $0x8500;
	s23 =	simm.s32 $0x8700  }
.LBB2_1:
0x17: {  	s1 =	rddreg [dreg:$0x5]  }
0x18: {  	[tilespmem:s2], [sflag:$0x2] =	stream.linear.gather [hbm4b:s1+s2], $0x200, $0x38;
	[tilespmem:$0x8A00] =	vst v63  }
0x19: {  	_ =	swait.ge [sflag:s8], $0x200  }
0x1a: {  	[sflag:s8] =	ssyncset.done $0x0  }
0x1b: {  	s13 =	rddreg [dreg:$0x6];
	[sflag:s8] =	ssyncadd.s32 $0xFFFFFE00  }
0x1c: {  	[tilespmem:s9], [sflag:$0x2] =	stream.linear.gather [hbm4b:s13+s2], $0x200, $0x38;
	[tilespmem:$0x8A00] =	vst v63  }
0x1d: {  	_ =	swait.ge [sflag:s8], $0x200  }
0x1e: {  	[sflag:s8] =	ssyncset.done $0x0  }
0x1f: {  	[sflag:s8] =	ssyncadd.s32 $0xFFFFFE00  }
0x20: {  	[tilespmem:s11], [sflag:$0x1] =	stream.indirect.gather [hbm4b:s3+s10], $0x20, s2, s10, $0xb8;
	[tilespmem:$0x8A00] =	vst v63  }
0x21: {  	_ = 	snop  }
0x22: {  	[tilespmem:s12], [sflag:$0x1] =	stream.indirect.gather [hbm4b:s4+s10], $0x20, s9, s10, $0xb8;
	[tilespmem:$0x8A00] =	vst v63  }
0x23: {  	s1 =	rddreg [dreg:$0xa]  }
0x24: {  	[tilespmem:s1], [sflag:$0x1] =	stream.indirect.gather [hbm4b:s5+s10], $0x1, s2, s10, $0xb8;
	[tilespmem:$0x8A00] =	vst v63  }
0x25: {  	s13 =	rddreg [dreg:$0xb]  }
0x26: {  	[tilespmem:s13], [sflag:$0x1] =	stream.indirect.gather [hbm4b:s6+s10], $0x1, s9, s10, $0xb8;
	[tilespmem:$0x8A00] =	vst v63  }
0x27: {  	s13 =	simm.s32 $0x1400  }
0x28: {  	[tilespmem:s13], [sflag:$0x1] =	stream.indirect.gather [hbm4b:s3+s10], $0x20, s10, s10, $0xb8;
	[tilespmem:$0x8A00] =	vst v63  }
0x29: {  	_ = 	snop  }
0x2a: {  	[tilespmem:s15], [sflag:$0x1] =	stream.indirect.gather [hbm4b:s4+s10], $0x20, s14, s10, $0xb8;
	[tilespmem:$0x8A00] =	vst v63  }
0x2b: {  	_ = 	snop  }
0x2c: {  	[tilespmem:s16], [sflag:$0x1] =	stream.indirect.gather [hbm4b:s5+s10], $0x1, s10, s10, $0xb8;
	[tilespmem:$0x8A00] =	vst v63  }
0x2d: {  	_ = 	snop  }
0x2e: {  	[tilespmem:s17], [sflag:$0x1] =	stream.indirect.gather [hbm4b:s6+s10], $0x1, s14, s10, $0xb8;
	[tilespmem:$0x8A00] =	vst v63  }
0x2f: {  	_ = 	snop  }
0x30: {  	[tilespmem:s19], [sflag:$0x1] =	stream.indirect.gather [hbm4b:s3+s10], $0x20, s18, s10, $0xb8;
	[tilespmem:$0x8A00] =	vst v63  }
0x31: {  	_ = 	snop  }
0x32: {  	[tilespmem:s21], [sflag:$0x1] =	stream.indirect.gather [hbm4b:s4+s10], $0x20, s20, s10, $0xb8;
	[tilespmem:$0x8A00] =	vst v63  }
0x33: {  	_ = 	snop  }
0x34: {  	[tilespmem:s22], [sflag:$0x1] =	stream.indirect.gather [hbm4b:s5+s10], $0x1, s18, s10, $0xb8;
	[tilespmem:$0x8A00] =	vst v63  }
0x35: {  	_ = 	snop  }
0x36: {  	[tilespmem:s23], [sflag:$0x1] =	stream.indirect.gather [hbm4b:s6+s10], $0x1, s20, s10, $0xb8;
	[tilespmem:$0x8A00] =	vst v63  }
0x37: {  	_ = 	snop  }
0x38: {  	[tilespmem:s25], [sflag:$0x1] =	stream.indirect.gather [hbm4b:s3+s10], $0x20, s24, s10, $0xb8;
	[tilespmem:$0x8A00] =	vst v63  }
0x39: {  	_ = 	snop  }
0x3a: {  	[tilespmem:s28], [sflag:$0x1] =	stream.indirect.gather [hbm4b:s4+s10], $0x20, s26, s10, $0xb8;
	[tilespmem:$0x8A00] =	vst v63  }
0x3b: {  	_ = 	snop  }
0x3c: {  	[tilespmem:s29], [sflag:$0x1] =	stream.indirect.gather [hbm4b:s5+s10], $0x1, s24, s10, $0xb8;
	[tilespmem:$0x8A00] =	vst v63  }
0x3d: {  	_ = 	snop  }
0x3e: {  	[tilespmem:s30], [sflag:$0x1] =	stream.indirect.gather [hbm4b:s6+s10], $0x1, s26, s10, $0xb8;
	[tilespmem:$0x8A00] =	vst v63  }
0x3f: {  	_ =	swait.ge [sflag:s31], $0x1000  }
0x40: {  	[sflag:s31] =	ssyncset.done $0x0  }
0x41: {  	[sflag:s31] =	ssyncadd.s32 $0xFFFFF000  }
0x42: {  	_ =	swait.ge [sflag:s31], $0x1000  }
0x43: {  	[sflag:s31] =	ssyncset.done $0x0  }
0x44: {  	[sflag:s31] =	ssyncadd.s32 $0xFFFFF000  }
0x45: {  	_ =	swait.ge [sflag:s31], $0x80  }
0x46: {  	[sflag:s31] =	ssyncset.done $0x0  }
0x47: {  	[sflag:s31] =	ssyncadd.s32 $0xFFFFFF80  }
0x48: {  	_ =	swait.ge [sflag:s31], $0x80  }
0x49: {  	[sflag:s31] =	ssyncset.done $0x0  }
0x4a: {  	[sflag:s31] =	ssyncadd.s32 $0xFFFFFF80  }
0x4b: {  	_ =	swait.ge [sflag:s31], $0x1000  }
0x4c: {  	[sflag:s31] =	ssyncset.done $0x0  }
0x4d: {  	[sflag:s31] =	ssyncadd.s32 $0xFFFFF000  }
0x4e: {  	_ =	swait.ge [sflag:s31], $0x1000  }
0x4f: {  	[sflag:s31] =	ssyncset.done $0x0  }
0x50: {  	[sflag:s31] =	ssyncadd.s32 $0xFFFFF000  }
0x51: {  	_ =	swait.ge [sflag:s31], $0x80  }
0x52: {  	[sflag:s31] =	ssyncset.done $0x0  }
0x53: {  	[sflag:s31] =	ssyncadd.s32 $0xFFFFFF80  }
0x54: {  	_ =	swait.ge [sflag:s31], $0x80  }
0x55: {  	[sflag:s31] =	ssyncset.done $0x0  }
0x56: {  	[sflag:s31] =	ssyncadd.s32 $0xFFFFFF80  }
0x57: {  	_ =	swait.ge [sflag:s31], $0x1000  }
0x58: {  	[sflag:s31] =	ssyncset.done $0x0  }
0x59: {  	[sflag:s31] =	ssyncadd.s32 $0xFFFFF000  }
0x5a: {  	_ =	swait.ge [sflag:s31], $0x1000  }
0x5b: {  	[sflag:s31] =	ssyncset.done $0x0  }
0x5c: {  	[sflag:s31] =	ssyncadd.s32 $0xFFFFF000  }
0x5d: {  	_ =	swait.ge [sflag:s31], $0x80  }
0x5e: {  	[sflag:s31] =	ssyncset.done $0x0  }
0x5f: {  	[sflag:s31] =	ssyncadd.s32 $0xFFFFFF80  }
0x60: {  	_ =	swait.ge [sflag:s31], $0x80  }
0x61: {  	[sflag:s31] =	ssyncset.done $0x0  }
0x62: {  	[sflag:s31] =	ssyncadd.s32 $0xFFFFFF80  }
0x63: {  	_ =	swait.ge [sflag:s31], $0x1000  }
0x64: {  	[sflag:s31] =	ssyncset.done $0x0  }
0x65: {  	[sflag:s31] =	ssyncadd.s32 $0xFFFFF000  }
0x66: {  	_ =	swait.ge [sflag:s31], $0x1000  }
0x67: {  	[sflag:s31] =	ssyncset.done $0x0  }
0x68: {  	[sflag:s31] =	ssyncadd.s32 $0xFFFFF000  }
0x69: {  	_ =	swait.ge [sflag:s31], $0x80  }
0x6a: {  	[sflag:s31] =	ssyncset.done $0x0  }
0x6b: {  	[sflag:s31] =	ssyncadd.s32 $0xFFFFFF80  }
0x6c: {  	_ =	swait.ge [sflag:s31], $0x80  }
0x6d: {  	[sflag:s31] =	ssyncset.done $0x0  }
0x6e: {  	[sflag:s31] =	ssyncadd.s32 $0xFFFFFF80  }
0x6f: {  	v0 =	vld [tilespmem:$0x8400]  }
0x70: {  	v1 =	vld [tilespmem:$0x8600]  }
0x71: {  	v2 =	vld [tilespmem:$0x8410]  }
0x72: {  	v3 =	vld [tilespmem:$0x8610]  }
0x73: {  	v4 =	vld [tilespmem:$0x8420]  }
0x74: {  	v5 =	vld [tilespmem:$0x8620]  }
0x75: {  	v6 =	vld [tilespmem:$0x8430]  }
0x76: {  	v7 =	vld [tilespmem:$0x8630]  }
0x77: {  	v8 =	vld [tilespmem:$0x8440]  }
0x78: {  	v9 =	vld [tilespmem:$0x8640]  }
0x79: {  	v10 =	vld [tilespmem:$0x8450]  }
0x7a: {  	v11 =	vld [tilespmem:$0x8650]  }
0x7b: {  	v12 =	vld [tilespmem:$0x8460]  }
0x7c: {  	v13 =	vld [tilespmem:$0x8660]  }
0x7d: {  	v14 =	vld [tilespmem:$0x8470]  }
0x7e: {  	v15 =	vld [tilespmem:$0x8670]  }
0x7f: {  	v16 =	vld [tilespmem:$0x8480]  }
0x80: {  	v17 =	vld [tilespmem:$0x8680]  }
0x81: {  	v18 =	vld [tilespmem:$0x8490]  }
0x82: {  	v19 =	vld [tilespmem:$0x8690]  }
0x83: {  	v20 =	vld [tilespmem:$0x84A0]  }
0x84: {  	v21 =	vld [tilespmem:$0x86A0]  }
0x85: {  	v22 =	vld [tilespmem:$0x84B0]  }
0x86: {  	v23 =	vld [tilespmem:$0x86B0]  }
0x87: {  	v24 =	vld [tilespmem:$0x84C0]  }
0x88: {  	v25 =	vld [tilespmem:$0x86C0]  }
0x89: {  	v26 =	vld [tilespmem:$0x84D0]  }
0x8a: {  	v27 =	vld [tilespmem:$0x86D0]  }
0x8b: {  	v28 =	vld [tilespmem:$0x84E0]  }
0x8c: {  	v29 =	vld [tilespmem:$0x86E0]  }
0x8d: {  	v30 =	vld [tilespmem:$0x84F0]  }
0x8e: {  	v31 =	vld [tilespmem:$0x86F0]  }
0x8f: {  	v32 =	vld [tilespmem:$0x8500]  }
0x90: {  	v33 =	vld [tilespmem:$0x8700]  }
0x91: {  	v34 =	vld [tilespmem:$0x8510]  }
0x92: {  	v35 =	vld [tilespmem:$0x8710]  }
0x93: {  	v36 =	vld [tilespmem:$0x8520]  }
0x94: {  	v46 =	vld [tilespmem:$0x8720];
	v0 =	vadd.f32 v1, v0  }
0x95: {  	v47 =	vld [tilespmem:$0x8530];
	v2 =	vadd.f32 v3, v2  }
0x96: {  	v49 =	vld [tilespmem:$0x8730];
	v48 =	vadd.f32 v5, v4;
	[tilespmem:$0x8800] =	vst v0  }
0x97: {  	v51 =	vld [tilespmem:$0x8540];
	v50 =	vadd.f32 v7, v6;
	[tilespmem:$0x8810] =	vst v2  }
0x98: {  	v53 =	vld [tilespmem:$0x8740];
	v52 =	vadd.f32 v9, v8;
	[tilespmem:$0x8820] =	vst v48  }
0x99: {  	v55 =	vld [tilespmem:$0x8550];
	v54 =	vadd.f32 v11, v10;
	[tilespmem:$0x8830] =	vst v50  }
0x9a: {  	v57 =	vld [tilespmem:$0x8750];
	v56 =	vadd.f32 v13, v12;
	[tilespmem:$0x8840] =	vst v52  }
0x9b: {  	v59 =	vld [tilespmem:$0x8560];
	v58 =	vadd.f32 v15, v14;
	[tilespmem:$0x8850] =	vst v54  }
0x9c: {  	v61 =	vld [tilespmem:$0x8760];
	v60 =	vadd.f32 v17, v16;
	[tilespmem:$0x8860] =	vst v56  }
0x9d: {  	v63 =	vld [tilespmem:$0x8570];
	v62 =	vadd.f32 v19, v18;
	[tilespmem:$0x8870] =	vst v58  }
0x9e: {  	v37 =	vld [tilespmem:$0x85A0];
	v20 =	vadd.f32 v21, v20;
	[tilespmem:$0x8880] =	vst v60  }
0x9f: {  	v39 =	vld [tilespmem:$0x87A0];
	v22 =	vadd.f32 v23, v22;
	[tilespmem:$0x8890] =	vst v62  }
0xa0: {  	v41 =	vld [tilespmem:$0x85B0];
	v24 =	vadd.f32 v25, v24;
	[tilespmem:$0x88A0] =	vst v20  }
0xa1: {  	v43 =	vld [tilespmem:$0x87B0];
	v26 =	vadd.f32 v27, v26;
	[tilespmem:$0x88B0] =	vst v22  }
0xa2: {  	v45 =	vld [tilespmem:$0x85C0];
	v28 =	vadd.f32 v29, v28;
	[tilespmem:$0x88C0] =	vst v24  }
0xa3: {  	v21 =	vld [tilespmem:$0x8770];
	v31 =	vadd.f32 v31, v30;
	[tilespmem:$0x88D0] =	vst v26  }
0xa4: {  	v23 =	vld [tilespmem:$0x8580];
	v38 =	vadd.f32 v33, v32;
	[tilespmem:$0x88E0] =	vst v28  }
0xa5: {  	v25 =	vld [tilespmem:$0x8780];
	v40 =	vadd.f32 v35, v34;
	[tilespmem:$0x88F0] =	vst v31  }
0xa6: {  	v27 =	vld [tilespmem:$0x8590];
	v42 =	vadd.f32 v46, v36;
	[tilespmem:$0x8900] =	vst v38  }
0xa7: {  	v29 =	vld [tilespmem:$0x8790];
	v44 =	vadd.f32 v49, v47;
	[tilespmem:$0x8910] =	vst v40  }
0xa8: {  	v46 =	vadd.f32 v53, v51;
	v47 =	vld [tilespmem:$0x87C0];
	[tilespmem:$0x8920] =	vst v42  }
0xa9: {  	v49 =	vld [tilespmem:$0x85D0];
	v1 =	vadd.f32 v43, v41;
	[tilespmem:$0x8930] =	vst v44  }
0xaa: {  	v51 =	vld [tilespmem:$0x87D0];
	v48 =	vadd.f32 v57, v55;
	[tilespmem:$0x8940] =	vst v46  }
0xab: {  	v53 =	vld [tilespmem:$0x85E0];
	v50 =	vadd.f32 v61, v59;
	[tilespmem:$0x89B0] =	vst v1  }
0xac: {  	v55 =	vld [tilespmem:$0x87E0];
	v58 =	vadd.f32 v39, v37;
	[tilespmem:$0x8950] =	vst v48  }
0xad: {  	v57 =	vld [tilespmem:$0x85F0];
	[tilespmem:$0x8960] =	vst v50;
	v52 =	vadd.f32 v21, v63  }
0xae: {  	v59 =	vld [tilespmem:$0x87F0];
	[tilespmem:$0x89A0] =	vst v58;
	v54 =	vadd.f32 v25, v23  }
0xaf: {  	v56 =	vadd.f32 v29, v27;
	[tilespmem:$0x8970] =	vst v52  }
0xb0: {  	v60 =	vadd.f32 v47, v45;
	[tilespmem:$0x8980] =	vst v54  }
0xb1: {  	v61 =	vadd.f32 v51, v49;
	[tilespmem:$0x8990] =	vst v56  }
0xb2: {  	[tilespmem:$0x89C0] =	vst v60;
	v62 =	vadd.f32 v55, v53  }
0xb3: {  	[tilespmem:$0x89D0] =	vst v61;
	v63 =	vadd.f32 v59, v57  }
0xb4: {  	[tilespmem:$0x89E0] =	vst v62  }
0xb5: {  	s13 =	rddreg [dreg:$0x7];
	[tilespmem:$0x89F0] =	vst v63  }
0xb6: {  	[hbm4b:s13+s2] =	stream.linear.scatter [tilespmem:s11], [sflag:$0x2], $0x4000, $0x38;
	[tilespmem:$0x8A00] =	vst v63  }
0xb7: {  	_ =	swait.ge [sflag:s8], $0x4000  }
0xb8: {  	[sflag:s8] =	ssyncset.done $0x0  }
0xb9: {  	s13 =	rddreg [dreg:$0x8];
	[sflag:s8] =	ssyncadd.s32 $0xFFFFC000  }
0xba: {  	[hbm4b:s13+s2] =	stream.linear.scatter [tilespmem:s12], [sflag:$0x2], $0x4000, $0x38;
	[tilespmem:$0x8A00] =	vst v63  }
0xbb: {  	_ =	swait.ge [sflag:s8], $0x4000  }
0xbc: {  	p0 =	sne.s32 s7, $0x1;
	[sflag:s8] =	ssyncset.done $0x0  }
.Ltmp0:
0xbd: {  	s13 =	rddreg [dreg:$0x9];
	[sflag:s8] =	ssyncadd.s32 $0xFFFFC000;
	(pc) =	sbr.rel @p0 .LBB2_1-.Ltmp0, $4  }
0xbe: {  	[hbm4b:s13+s2] =	stream.linear.scatter [tilespmem:s0], [sflag:$0x2], $0x200, $0x38;
	[tilespmem:$0x8A00] =	vst v63  }
0xbf: {  	_ =	swait.ge [sflag:s8], $0x200  }
0xc0: {  	[sflag:s8] =	ssyncset.done $0x0  }
0xc1: {  	s7 =	sadd.s32 $0xFFFFFFFF, s7;
	[sflag:s8] =	ssyncadd.s32 $0xFFFFFE00  }
0xc2: {  	_ =	sfence.sel $0x180000  }
0xc3: {  	[bflag:$0x0] =	sbarrier.arrive $0xFFFF  }
0xc4: {  	_ =	strace $0x90000047  }
0xc5: {  	s0 =	stileid.u32;
	[bflag:$0x2] =	sbarrier.arrive $0xFFFF  }
0xc6: {  	p0 =	sne.s32 s0, $0x0;
	s0 =	rddreg [dreg:$0x4]  }
0xc7: {  	s0 =	sadd.s32 @!p0 $0x100000, s0  }
0xc8: {  	[sflag:s0] =	ssyncadd.tile.s32 @!p0 $0x1;
	_ =	shalt  }
.Lfunc_end2:
_tile_overlayer_lowered:
.L_overlay_start_2:
0xc9: {  	(tag) =	ssettag $0x2  }
0xca: {  	s0 =	rddreg [dreg:$0x0];
	s2 =	stileid.u32  }
0xcb: {  	s1 =	rddreg [dreg:$0x1];
	p0 =	sne.s32 s2, $0x0  }
0xcc: {  	s3 =	rddreg [dreg:$0x2];
	[bflag:$0x3] =	sbarrier.arrive $0xFFFF;
	s2 =	simm.s32 @!p0 $0x1C02  }
0xcd: {  	[timem:s3], [sflag:s2] =	dma.local @!p0 [hbm:s0], s1  }
0xce: {  	s0 =	simm.s32 @!p0 $0x2  }
0xcf: {  	_ =	swait.ge @!p0 [sflag:s0], s1  }
0xd0: {  	s1 =	ssub.s32 @!p0 $0x0, s1;
	[sflag:s0] =	ssyncset.done @!p0 $0x0  }
0xd1: {  	[sflag:s0] =	ssyncadd.s32 @!p0 s1  }
0xd2: {  	[bflag:$0x3] =	sbarrier.arrive $0xFFFF  }
0xd3: {  	_ =	shalt  }

</sc_bundles>
